<compile_context>
chip_gen: v7x
topology: tpu7x:2x2x1
jax: 0.10.2.dev20260603
libtpu: 0.0.44.dev20260713+nightly
codegen_flags: <defaults>
</compile_context>

<pallas_src>
import functools
import math

import jax
import jax.numpy as jnp
from jax import lax
from jax.experimental import pallas as pl
from jax.experimental.pallas import tpu as pltpu
from jax.experimental.pallas import tpu_sc as plsc

N_NODES = 10000
N_EDGES = 160000
MUL_IN = 16
MUL_EDGE = 4
MUL_OUT = 16

NC = 2
NS = 16
NW = NC * NS
B = 128
K = 40
EW = K * B
EP = NW * EW
NP = 10240
ZR = NP // NS
NB = 4

_mesh = plsc.VectorSubcoreMesh(core_axis_name="c", subcore_axis_name="s")
_sc_params = pltpu.CompilerParams(use_tc_tiling_on_sc=False,
                                  needs_layout_passes=False)


def _gather_body(table, idx3, attr_t, scal_t, xsrc, aux, tbl_sh, idx_v,
                 rows_v, abuf, sbuf, obuf, g0, g1, g2, g3, w0, w1, w2, w3):
    sid = lax.axis_index("s")
    wid = lax.axis_index("c") * NS + sid
    @pl.when(sid == 0)
    def _():
        pltpu.sync_copy(table, tbl_sh)

    pltpu.sync_copy(idx3.at[wid], idx_v)
    plsc.subcore_barrier()
    base = wid * EW
    gsem = (g0, g1, g2, g3)
    wsem = (w0, w1, w2, w3)

    for j in range(MUL_EDGE):
        pltpu.sync_copy(attr_t.at[j, pl.ds(base, EW)], abuf.at[j])
    pltpu.sync_copy(scal_t.at[pl.ds(base, EW)], sbuf)

    for b in range(NB):
        pltpu.async_copy(tbl_sh.at[idx_v.at[b]], rows_v.at[b], gsem[b])

    def step(g, carry):
        for b in range(NB):
            j = g * NB + b
            pltpu.make_async_copy(tbl_sh.at[idx_v.at[j]], rows_v.at[b],
                                  gsem[b]).wait()
            pltpu.async_copy(rows_v.at[b], xsrc.at[pl.ds(base + j * B, B)],
                             wsem[b])
        for b in range(NB):
            j = g * NB + b + NB

            @pl.when(j < K)
            def _():
                pltpu.make_async_copy(
                    rows_v.at[b], xsrc.at[pl.ds(base, B)], wsem[b]).wait()
                pltpu.async_copy(tbl_sh.at[idx_v.at[j]], rows_v.at[b],
                                 gsem[b])
        return carry

    lax.fori_loop(0, K // NB, step, 0)
    for b in range(NB):
        pltpu.make_async_copy(
            rows_v.at[b], xsrc.at[pl.ds(base, B)], wsem[b]).wait()

    lanes = lax.iota(jnp.int32, 16)
    rowpat = lax.shift_right_logical(lanes, 3)
    colpat = lax.shift_left(lax.bitwise_and(lanes, 7), 2)

    def wstep(t, carry):
        e0 = t * 16
        s_v = sbuf[pl.ds(e0, 16)]
        rows = rowpat + lax.broadcast(t * 2, (16,))
        for j in range(MUL_EDGE):
            a_v = abuf[j, pl.ds(e0, 16)]
            plsc.store_scatter(obuf, [rows, colpat + j], a_v * s_v)
        return carry

    lax.fori_loop(0, EW // 16, wstep, 0)
    pltpu.sync_copy(obuf, aux.at[pl.ds(wid * (EW // 8), EW // 8), pl.ds(0, 32)])


_gather = functools.partial(
    pl.kernel,
    out_type=(jax.ShapeDtypeStruct((EP, MUL_IN), jnp.float32),
              jax.ShapeDtypeStruct((EP // 8, 128), jnp.float32)),
    mesh=_mesh,
    scratch_types=[
        pltpu.VMEM_SHARED((N_NODES, MUL_IN), jnp.float32),
        pltpu.VMEM((K, B), jnp.int32),
        pltpu.VMEM((NB, B, MUL_IN), jnp.float32),
        pltpu.VMEM((MUL_EDGE, EW), jnp.float32),
        pltpu.VMEM((EW,), jnp.float32),
        pltpu.VMEM((EW // 8, 32), jnp.float32),
    ] + [pltpu.SemaphoreType.DMA] * (2 * NB),
    compiler_params=_sc_params,
)(_gather_body)


TC_RB = 1024


def _tp_body(x_ref, aux_ref, bd_ref, sc_ref, o_ref):
    dot = functools.partial(lax.dot, preferred_element_type=jnp.float32)
    tx = dot(x_ref[...], bd_ref[...])
    ta = dot(aux_ref[...][:, 0:32], sc_ref[...])
    m = tx * ta
    o_ref[...] = (m[:, 0:128] + m[:, 128:256]) + (m[:, 256:384] + m[:, 384:512])


def _tp(x2, aux, bdcat, scat):
    grid = (EP // 8) // TC_RB
    return pl.pallas_call(
        _tp_body,
        grid=(grid,),
        in_specs=[
            pl.BlockSpec((TC_RB, 128), lambda i: (i, 0)),
            pl.BlockSpec((TC_RB, 128), lambda i: (i, 0)),
            pl.BlockSpec((128, 512), lambda i: (0, 0)),
            pl.BlockSpec((32, 512), lambda i: (0, 0)),
        ],
        out_specs=pl.BlockSpec((TC_RB, 128), lambda i: (i, 0)),
        out_shape=jax.ShapeDtypeStruct((EP // 8, 128), jnp.float32),
    )(x2, aux, bdcat, scat)


def _scatter_body(ef, dst3, out, acc_sh, zbuf, idx_v, rows_v,
                  r0, r1, r2, r3, s0, s1, s2, s3):
    cid = lax.axis_index("c")
    sid = lax.axis_index("s")
    wid = cid * NS + sid

    def zstep(r, carry):
        zbuf[r, :] = jnp.zeros((MUL_OUT,), jnp.float32)
        return carry

    lax.fori_loop(0, ZR, zstep, 0)
    pltpu.sync_copy(zbuf, acc_sh.at[pl.ds(sid * ZR, ZR)])
    plsc.subcore_barrier()

    pltpu.sync_copy(dst3.at[wid], idx_v)
    base = wid * EW
    rsem = (r0, r1, r2, r3)
    ssem = (s0, s1, s2, s3)
    for b in range(NB):
        pltpu.async_copy(ef.at[pl.ds(base + b * B, B)], rows_v.at[b], rsem[b])

    def step(g, carry):
        for b in range(NB):
            j = g * NB + b
            pltpu.make_async_copy(ef.at[pl.ds(base + j * B, B)], rows_v.at[b],
                                  rsem[b]).wait()
            pltpu.async_copy(rows_v.at[b], acc_sh.at[idx_v.at[j]], ssem[b],
                             add=True)
        for b in range(NB):
            j = g * NB + b + NB

            @pl.when(j < K)
            def _():
                pltpu.make_async_copy(rows_v.at[b], acc_sh.at[idx_v.at[0]],
                                      ssem[b]).wait()
                pltpu.async_copy(ef.at[pl.ds(base + j * B, B)],
                                 rows_v.at[b], rsem[b])
        return carry

    lax.fori_loop(0, K // NB, step, 0)
    for b in range(NB):
        pltpu.make_async_copy(rows_v.at[b], acc_sh.at[idx_v.at[0]],
                              ssem[b]).wait()
    plsc.subcore_barrier()

    pltpu.sync_copy(acc_sh.at[pl.ds(sid * ZR, ZR)],
                    out.at[cid, pl.ds(sid * ZR, ZR)])


_scatter = functools.partial(
    pl.kernel,
    out_type=jax.ShapeDtypeStruct((NC, NP, MUL_OUT), jnp.float32),
    mesh=_mesh,
    scratch_types=[
        pltpu.VMEM_SHARED((NP, MUL_OUT), jnp.float32),
        pltpu.VMEM((ZR, MUL_OUT), jnp.float32),
        pltpu.VMEM((K, B), jnp.int32),
        pltpu.VMEM((NB, B, MUL_OUT), jnp.float32),
    ] + [pltpu.SemaphoreType.DMA] * (2 * NB),
    compiler_params=_sc_params,
)(_scatter_body)


def _add_body(p_ref, o_ref):
    o_ref[...] = (p_ref[0] + p_ref[1])[:N_NODES // 8]


def _add_partials(partials2):
    return pl.pallas_call(
        _add_body,
        out_shape=jax.ShapeDtypeStruct((N_NODES // 8, 128), jnp.float32),
    )(partials2)


def kernel(node_input, edge_src, edge_dst, edge_attr, edge_scalars, fc_w1, fc_w2):
    pvec = (jnp.dot(jnp.maximum(fc_w1, 0.0) * math.sqrt(2.0), fc_w2,
                    precision=lax.Precision.HIGHEST)
            / math.sqrt(64.0)).reshape(MUL_IN, MUL_EDGE, MUL_OUT)
    e8 = jnp.eye(8, dtype=jnp.float32)
    bdcat = jnp.concatenate(
        [jnp.kron(e8, pvec[:, j, :]) for j in range(MUL_EDGE)],
        axis=1) * (1.0 / 32.0)
    e4 = jnp.eye(MUL_EDGE, dtype=jnp.float32)
    scat = (e8[:, None, None, :, None] * e4[None, :, :, None, None]
            * jnp.ones((1, 1, 1, 1, MUL_OUT), jnp.float32)
            ).reshape(32, 512)

    pad = EP - N_EDGES
    src3 = jnp.concatenate(
        [edge_src.astype(jnp.int32), jnp.zeros((pad,), jnp.int32)]
    ).reshape(NW, K, B)
    dst3 = jnp.concatenate(
        [edge_dst.astype(jnp.int32), jnp.zeros((pad,), jnp.int32)]
    ).reshape(NW, K, B)
    attr_t = jnp.pad(edge_attr.T, ((0, 0), (0, pad)))
    scal_t = jnp.pad(edge_scalars.T, ((0, 0), (0, pad)))[0]

    x_src, aux = _gather(node_input, src3, attr_t, scal_t)
    x2 = x_src.reshape(EP // 8, 128)
    ef2 = _tp(x2, aux, bdcat, scat)
    partials = _scatter(ef2.reshape(EP, MUL_OUT), dst3)
    out2 = _add_partials(partials.reshape(NC, NP // 8, 128))
    return out2.reshape(N_NODES, MUL_OUT)

# --- scband reference (transcript-rebuilt; emitter-appended) ---
"""Pipeline reference for scband-relaxed-convolution-58815282151654 (READ-ONLY COPY).

The authoritative reference and input builder live on the scoring server;
editing this copy changes nothing except your own understanding.
"""

import jax, jax.numpy as jnp
import numpy as np
import math

N_NODES = 10000
N_EDGES = 160000
MUL_IN = 16
MUL_EDGE = 4
MUL_OUT = 16
FC_EDGE_DIM = 1
FC_NEURONS = 64
NUM_NEIGHBORS = 16
WEIGHT_NUMEL = MUL_IN * MUL_EDGE * MUL_OUT


def setup_inputs(seed: int = 0) -> dict:
    key = jax.random.key(seed)
    ks = jax.random.split(key, 7)
    node_input = jax.random.normal(ks[0], (N_NODES, MUL_IN), dtype=jnp.float32)
    edge_src = jax.random.randint(ks[1], (N_EDGES,), 0, N_NODES, dtype=jnp.int64 if jax.config.read('jax_enable_x64') else jnp.int32)
    edge_dst = jax.random.randint(ks[2], (N_EDGES,), 0, N_NODES, dtype=jnp.int64 if jax.config.read('jax_enable_x64') else jnp.int32)
    edge_attr = jax.random.normal(ks[3], (N_EDGES, MUL_EDGE), dtype=jnp.float32)
    edge_scalars = jax.random.uniform(ks[4], (N_EDGES, FC_EDGE_DIM), dtype=jnp.float32)
    # learned parameters of FullyConnectedNet [fc_edge_dim, fc_neurons, weight_numel]
    fc_w1 = jax.random.normal(ks[5], (FC_EDGE_DIM, FC_NEURONS), dtype=jnp.float32)
    fc_w2 = jax.random.normal(ks[6], (FC_NEURONS, WEIGHT_NUMEL), dtype=jnp.float32)
    return {
        'node_input': node_input,
        'edge_src': edge_src,
        'edge_dst': edge_dst,
        'edge_attr': edge_attr,
        'edge_scalars': edge_scalars,
        'fc_w1': fc_w1,
        'fc_w2': fc_w2,
    }


def reference(node_input, edge_src, edge_dst, edge_attr, edge_scalars, fc_w1, fc_w2):
    # e3nn FullyConnectedNet: x @ (W / sqrt(fan_in)); hidden act = relu normalized to unit 2nd moment (factor sqrt(2))
    h = edge_scalars @ fc_w1 / math.sqrt(FC_EDGE_DIM)
    h = jnp.maximum(h, 0.0) * math.sqrt(2.0)
    tp_weight = (h @ fc_w2) / math.sqrt(FC_NEURONS)  # [E, weight_numel]
    tp_weight = tp_weight.reshape(N_EDGES, MUL_IN, MUL_EDGE, MUL_OUT)
    # FullyConnectedTensorProduct on scalar irreps (16x0e x 4x0e -> 16x0e), shared_weights=False,
    # path_normalization='element': fan_in = MUL_IN * MUL_EDGE
    x_src = node_input[edge_src]  # gather [E, MUL_IN]
    path_norm = 1.0 / math.sqrt(MUL_IN * MUL_EDGE)
    edge_features = jnp.einsum('ei,ej,eiju->eu', x_src, edge_attr, tp_weight) * path_norm
    # scatter-add over destination nodes
    node_features = jnp.zeros((N_NODES, MUL_OUT), dtype=node_input.dtype).at[edge_dst].add(edge_features)
    return node_features / math.sqrt(NUM_NEIGHBORS)

if __name__ == "__main__":
    import jax
    _d = setup_inputs()
    print(jax.jit(kernel)(*tuple(_d.values())))

</pallas_src>

<mosaic_0001>
#map = affine_map<(d0, d1) -> (0, 0)>
#map1 = affine_map<(d0, d1) -> (0, 0, 0)>
module attributes {stable_mosaic.version = 14 : i64} {
  func.func @_scatter_body(%arg0: i32, %arg1: i32, %arg2: memref<163840x16xf32, #tpu.memory_space<hbm>>, %arg3: memref<32x40x128xi32, #tpu.memory_space<hbm>>, %arg4: memref<2x10240x16xf32, #tpu.memory_space<hbm>>, %arg5: memref<10240x16xf32, #tpu.memory_space<vmem_shared>>, %arg6: memref<640x16xf32, #tpu.memory_space<vmem>>, %arg7: memref<40x128xi32, #tpu.memory_space<vmem>>, %arg8: memref<4x128x16xf32, #tpu.memory_space<vmem>>, %arg9: memref<!tpu.dma_semaphore, #tpu.memory_space<semaphore_mem>>, %arg10: memref<!tpu.dma_semaphore, #tpu.memory_space<semaphore_mem>>, %arg11: memref<!tpu.dma_semaphore, #tpu.memory_space<semaphore_mem>>, %arg12: memref<!tpu.dma_semaphore, #tpu.memory_space<semaphore_mem>>, %arg13: memref<!tpu.dma_semaphore, #tpu.memory_space<semaphore_mem>>, %arg14: memref<!tpu.dma_semaphore, #tpu.memory_space<semaphore_mem>>, %arg15: memref<!tpu.dma_semaphore, #tpu.memory_space<semaphore_mem>>, %arg16: memref<!tpu.dma_semaphore, #tpu.memory_space<semaphore_mem>>) attributes {dimension_semantics = [#tpu.dimension_semantics<core_parallel>, #tpu.dimension_semantics<subcore_parallel>], iteration_bounds = array<i64: 2, 16>, scalar_prefetch = 0 : i64, scratch_operands = 12 : i64, tpu.core_type = #tpu.core_type<sc_vector_subcore>, window_params = [{transform_indices = #map}, {transform_indices = #map1}, {transform_indices = #map1}]} {
    %mul3A = arith.constant 16 : i32
    %mul3A_0 = arith.muli %arg0, %mul3A : i32
    %add3A = arith.addi %mul3A_0, %arg1 : i32
    %scan3A = arith.constant 0 : i32
    %scan3A_1 = arith.constant 0 : i32
    %scan3A_2 = arith.constant 640 : i32
    %scan3A_3 = arith.addi %scan3A_1, %scan3A_2 : i32
    %scan3A_4 = arith.constant 1 : i32
    scf.for %scan3A_127 = %scan3A_1 to %scan3A_3 step %scan3A_4  : i32 {
      %broadcast_in_dim3A = arith.constant 0.000000e+00 : f32
      %broadcast_in_dim3A_128 = vector.broadcast %broadcast_in_dim3A : f32 to vector<16xf32>
      %swap3A = arith.index_cast %scan3A_127 : i32 to index
      %swap3A_129 = arith.constant 0 : index
      %swap3A_130 = tpu.vector_load %arg6[%swap3A, %swap3A_129] {strides = array<i32>} : memref<640x16xf32, #tpu.memory_space<vmem>>, vector<16xf32>,
      tpu.vector_store %arg6[%swap3A, %swap3A_129], %broadcast_in_dim3A_128 {strides = array<i32>} : memref<640x16xf32, #tpu.memory_space<vmem>>, vector<16xf32>,
    }
    %scan3A_5 = arith.constant 640 : i32
    %mul3A_6 = arith.constant 640 : i32
    %mul3A_7 = arith.muli %arg1, %mul3A_6 : i32
    "tpu.region"() ({
      %run_scoped3A = tpu.sem_alloc : memref<!tpu.dma_semaphore, #tpu.memory_space<semaphore_mem>>
      %dma_start3A_127 = arith.constant 0 : i32
      %dma_start3A_128 = tpu.memref_slice %arg5[%mul3A_7, %dma_start3A_127] : memref<10240x16xf32, #tpu.memory_space<vmem_shared>> -> memref<640x16xf32, #tpu.memory_space<vmem_shared>>
      %dma_start3A_129 = arith.constant 0 : i32
      %dma_start3A_130 = tpu.memref_slice %arg5[%mul3A_7, %dma_start3A_129] : memref<10240x16xf32, #tpu.memory_space<vmem_shared>> -> memref<640x16xf32, #tpu.memory_space<vmem_shared>>
      tpu.enqueue_dma source(%arg6 : memref<640x16xf32, #tpu.memory_space<vmem>>) target(%dma_start3A_130 : memref<640x16xf32, #tpu.memory_space<vmem_shared>>) target_semaphore(%run_scoped3A : memref<!tpu.dma_semaphore, #tpu.memory_space<semaphore_mem>>)
      %dma_wait3A_131 = arith.constant 0 : i32
      %dma_wait3A_132 = tpu.memref_slice %arg5[%mul3A_7, %dma_wait3A_131] : memref<10240x16xf32, #tpu.memory_space<vmem_shared>> -> memref<640x16xf32, #tpu.memory_space<vmem_shared>>
      %dma_wait3A_133 = arith.constant 0 : i32
      %dma_wait3A_134 = tpu.memref_slice %arg5[%mul3A_7, %dma_wait3A_133] : memref<10240x16xf32, #tpu.memory_space<vmem_shared>> -> memref<640x16xf32, #tpu.memory_space<vmem_shared>>
      tpu.wait_dma2 semaphore(%run_scoped3A : memref<!tpu.dma_semaphore, #tpu.memory_space<semaphore_mem>>) src(%arg6 : memref<640x16xf32, #tpu.memory_space<vmem>>) dst(%dma_wait3A_134 : memref<640x16xf32, #tpu.memory_space<vmem_shared>>)
      tpu.yield
    }) : () -> ()
    %barrier3A = arith.constant 0 : index
    tpu.barrier barrier_id(%barrier3A)
    "tpu.region"() ({
      %run_scoped3A = tpu.sem_alloc : memref<!tpu.dma_semaphore, #tpu.memory_space<semaphore_mem>>
      %dma_start3A_127 = arith.constant 0 : i32
      %dma_start3A_128 = arith.constant 0 : i32
      %dma_start3A_129 = tpu.memref_slice %arg3[%add3A, %dma_start3A_127, %dma_start3A_128] : memref<32x40x128xi32, #tpu.memory_space<hbm>> -> memref<1x40x128xi32, #tpu.memory_space<hbm>>
      %dma_start3A_130 = tpu.memref_squeeze %dma_start3A_129 : memref<1x40x128xi32, #tpu.memory_space<hbm>> -> memref<40x128xi32, #tpu.memory_space<hbm>>
      %dma_start3A_131 = arith.constant 0 : i32
      %dma_start3A_132 = arith.constant 0 : i32
      %dma_start3A_133 = tpu.memref_slice %arg3[%add3A, %dma_start3A_131, %dma_start3A_132] : memref<32x40x128xi32, #tpu.memory_space<hbm>> -> memref<1x40x128xi32, #tpu.memory_space<hbm>>
      %dma_start3A_134 = tpu.memref_squeeze %dma_start3A_133 : memref<1x40x128xi32, #tpu.memory_space<hbm>> -> memref<40x128xi32, #tpu.memory_space<hbm>>
      tpu.enqueue_dma source(%dma_start3A_134 : memref<40x128xi32, #tpu.memory_space<hbm>>) target(%arg7 : memref<40x128xi32, #tpu.memory_space<vmem>>) target_semaphore(%run_scoped3A : memref<!tpu.dma_semaphore, #tpu.memory_space<semaphore_mem>>)
      %dma_wait3A_135 = arith.constant 0 : i32
      %dma_wait3A_136 = arith.constant 0 : i32
      %dma_wait3A_137 = tpu.memref_slice %arg3[%add3A, %dma_wait3A_135, %dma_wait3A_136] : memref<32x40x128xi32, #tpu.memory_space<hbm>> -> memref<1x40x128xi32, #tpu.memory_space<hbm>>
      %dma_wait3A_138 = tpu.memref_squeeze %dma_wait3A_137 : memref<1x40x128xi32, #tpu.memory_space<hbm>> -> memref<40x128xi32, #tpu.memory_space<hbm>>
      %dma_wait3A_139 = arith.constant 0 : i32
      %dma_wait3A_140 = arith.constant 0 : i32
      %dma_wait3A_141 = tpu.memref_slice %arg3[%add3A, %dma_wait3A_139, %dma_wait3A_140] : memref<32x40x128xi32, #tpu.memory_space<hbm>> -> memref<1x40x128xi32, #tpu.memory_space<hbm>>
      %dma_wait3A_142 = tpu.memref_squeeze %dma_wait3A_141 : memref<1x40x128xi32, #tpu.memory_space<hbm>> -> memref<40x128xi32, #tpu.memory_space<hbm>>
      tpu.wait_dma2 semaphore(%run_scoped3A : memref<!tpu.dma_semaphore, #tpu.memory_space<semaphore_mem>>) src(%dma_wait3A_142 : memref<40x128xi32, #tpu.memory_space<hbm>>) dst(%arg7 : memref<40x128xi32, #tpu.memory_space<vmem>>)
      tpu.yield
    }) : () -> ()
    %mul3A_8 = arith.constant 5120 : i32
    %mul3A_9 = arith.muli %add3A, %mul3A_8 : i32
    %add3A_10 = arith.constant 0 : i32
    %add3A_11 = arith.addi %mul3A_9, %add3A_10 : i32
    %dma_start3A = arith.constant 0 : i32
    %dma_start3A_12 = arith.constant 0 : i32
    %dma_start3A_13 = arith.constant 0 : i32
    %dma_start3A_14 = tpu.memref_slice %arg8[%dma_start3A, %dma_start3A_12, %dma_start3A_13] : memref<4x128x16xf32, #tpu.memory_space<vmem>> -> memref<1x128x16xf32, #tpu.memory_space<vmem>>
    %dma_start3A_15 = tpu.memref_squeeze %dma_start3A_14 : memref<1x128x16xf32, #tpu.memory_space<vmem>> -> memref<128x16xf32, #tpu.memory_space<vmem>>
    %dma_start3A_16 = arith.constant 0 : i32
    %dma_start3A_17 = tpu.memref_slice %arg2[%add3A_11, %dma_start3A_16] : memref<163840x16xf32, #tpu.memory_space<hbm>> -> memref<128x16xf32, #tpu.memory_space<hbm>>
    %dma_start3A_18 = arith.constant 0 : i32
    %dma_start3A_19 = arith.constant 0 : i32
    %dma_start3A_20 = tpu.memref_slice %arg8[%dma_start3A, %dma_start3A_18, %dma_start3A_19] : memref<4x128x16xf32, #tpu.memory_space<vmem>> -> memref<1x128x16xf32, #tpu.memory_space<vmem>>
    %dma_start3A_21 = tpu.memref_squeeze %dma_start3A_20 : memref<1x128x16xf32, #tpu.memory_space<vmem>> -> memref<128x16xf32, #tpu.memory_space<vmem>>
    %dma_start3A_22 = arith.constant 0 : i32
    %dma_start3A_23 = tpu.memref_slice %arg2[%add3A_11, %dma_start3A_22] : memref<163840x16xf32, #tpu.memory_space<hbm>> -> memref<128x16xf32, #tpu.memory_space<hbm>>
    tpu.enqueue_dma source(%dma_start3A_23 : memref<128x16xf32, #tpu.memory_space<hbm>>) target(%dma_start3A_21 : memref<128x16xf32, #tpu.memory_space<vmem>>) target_semaphore(%arg9 : memref<!tpu.dma_semaphore, #tpu.memory_space<semaphore_mem>>)
    %add3A_24 = arith.constant 128 : i32
    %add3A_25 = arith.addi %mul3A_9, %add3A_24 : i32
    %dma_start3A_26 = arith.constant 1 : i32
    %dma_start3A_27 = arith.constant 0 : i32
    %dma_start3A_28 = arith.constant 0 : i32
    %dma_start3A_29 = tpu.memref_slice %arg8[%dma_start3A_26, %dma_start3A_27, %dma_start3A_28] : memref<4x128x16xf32, #tpu.memory_space<vmem>> -> memref<1x128x16xf32, #tpu.memory_space<vmem>>
    %dma_start3A_30 = tpu.memref_squeeze %dma_start3A_29 : memref<1x128x16xf32, #tpu.memory_space<vmem>> -> memref<128x16xf32, #tpu.memory_space<vmem>>
    %dma_start3A_31 = arith.constant 0 : i32
    %dma_start3A_32 = tpu.memref_slice %arg2[%add3A_25, %dma_start3A_31] : memref<163840x16xf32, #tpu.memory_space<hbm>> -> memref<128x16xf32, #tpu.memory_space<hbm>>
    %dma_start3A_33 = arith.constant 0 : i32
    %dma_start3A_34 = arith.constant 0 : i32
    %dma_start3A_35 = tpu.memref_slice %arg8[%dma_start3A_26, %dma_start3A_33, %dma_start3A_34] : memref<4x128x16xf32, #tpu.memory_space<vmem>> -> memref<1x128x16xf32, #tpu.memory_space<vmem>>
    %dma_start3A_36 = tpu.memref_squeeze %dma_start3A_35 : memref<1x128x16xf32, #tpu.memory_space<vmem>> -> memref<128x16xf32, #tpu.memory_space<vmem>>
    %dma_start3A_37 = arith.constant 0 : i32
    %dma_start3A_38 = tpu.memref_slice %arg2[%add3A_25, %dma_start3A_37] : memref<163840x16xf32, #tpu.memory_space<hbm>> -> memref<128x16xf32, #tpu.memory_space<hbm>>
    tpu.enqueue_dma source(%dma_start3A_38 : memref<128x16xf32, #tpu.memory_space<hbm>>) target(%dma_start3A_36 : memref<128x16xf32, #tpu.memory_space<vmem>>) target_semaphore(%arg10 : memref<!tpu.dma_semaphore, #tpu.memory_space<semaphore_mem>>)
    %add3A_39 = arith.constant 256 : i32
    %add3A_40 = arith.addi %mul3A_9, %add3A_39 : i32
    %dma_start3A_41 = arith.constant 2 : i32
    %dma_start3A_42 = arith.constant 0 : i32
    %dma_start3A_43 = arith.constant 0 : i32
    %dma_start3A_44 = tpu.memref_slice %arg8[%dma_start3A_41, %dma_start3A_42, %dma_start3A_43] : memref<4x128x16xf32, #tpu.memory_space<vmem>> -> memref<1x128x16xf32, #tpu.memory_space<vmem>>
    %dma_start3A_45 = tpu.memref_squeeze %dma_start3A_44 : memref<1x128x16xf32, #tpu.memory_space<vmem>> -> memref<128x16xf32, #tpu.memory_space<vmem>>
    %dma_start3A_46 = arith.constant 0 : i32
    %dma_start3A_47 = tpu.memref_slice %arg2[%add3A_40, %dma_start3A_46] : memref<163840x16xf32, #tpu.memory_space<hbm>> -> memref<128x16xf32, #tpu.memory_space<hbm>>
    %dma_start3A_48 = arith.constant 0 : i32
    %dma_start3A_49 = arith.constant 0 : i32
    %dma_start3A_50 = tpu.memref_slice %arg8[%dma_start3A_41, %dma_start3A_48, %dma_start3A_49] : memref<4x128x16xf32, #tpu.memory_space<vmem>> -> memref<1x128x16xf32, #tpu.memory_space<vmem>>
    %dma_start3A_51 = tpu.memref_squeeze %dma_start3A_50 : memref<1x128x16xf32, #tpu.memory_space<vmem>> -> memref<128x16xf32, #tpu.memory_space<vmem>>
    %dma_start3A_52 = arith.constant 0 : i32
    %dma_start3A_53 = tpu.memref_slice %arg2[%add3A_40, %dma_start3A_52] : memref<163840x16xf32, #tpu.memory_space<hbm>> -> memref<128x16xf32, #tpu.memory_space<hbm>>
    tpu.enqueue_dma source(%dma_start3A_53 : memref<128x16xf32, #tpu.memory_space<hbm>>) target(%dma_start3A_51 : memref<128x16xf32, #tpu.memory_space<vmem>>) target_semaphore(%arg11 : memref<!tpu.dma_semaphore, #tpu.memory_space<semaphore_mem>>)
    %add3A_54 = arith.constant 384 : i32
    %add3A_55 = arith.addi %mul3A_9, %add3A_54 : i32
    %dma_start3A_56 = arith.constant 3 : i32
    %dma_start3A_57 = arith.constant 0 : i32
    %dma_start3A_58 = arith.constant 0 : i32
    %dma_start3A_59 = tpu.memref_slice %arg8[%dma_start3A_56, %dma_start3A_57, %dma_start3A_58] : memref<4x128x16xf32, #tpu.memory_space<vmem>> -> memref<1x128x16xf32, #tpu.memory_space<vmem>>
    %dma_start3A_60 = tpu.memref_squeeze %dma_start3A_59 : memref<1x128x16xf32, #tpu.memory_space<vmem>> -> memref<128x16xf32, #tpu.memory_space<vmem>>
    %dma_start3A_61 = arith.constant 0 : i32
    %dma_start3A_62 = tpu.memref_slice %arg2[%add3A_55, %dma_start3A_61] : memref<163840x16xf32, #tpu.memory_space<hbm>> -> memref<128x16xf32, #tpu.memory_space<hbm>>
    %dma_start3A_63 = arith.constant 0 : i32
    %dma_start3A_64 = arith.constant 0 : i32
    %dma_start3A_65 = tpu.memref_slice %arg8[%dma_start3A_56, %dma_start3A_63, %dma_start3A_64] : memref<4x128x16xf32, #tpu.memory_space<vmem>> -> memref<1x128x16xf32, #tpu.memory_space<vmem>>
    %dma_start3A_66 = tpu.memref_squeeze %dma_start3A_65 : memref<1x128x16xf32, #tpu.memory_space<vmem>> -> memref<128x16xf32, #tpu.memory_space<vmem>>
    %dma_start3A_67 = arith.constant 0 : i32
    %dma_start3A_68 = tpu.memref_slice %arg2[%add3A_55, %dma_start3A_67] : memref<163840x16xf32, #tpu.memory_space<hbm>> -> memref<128x16xf32, #tpu.memory_space<hbm>>
    tpu.enqueue_dma source(%dma_start3A_68 : memref<128x16xf32, #tpu.memory_space<hbm>>) target(%dma_start3A_66 : memref<128x16xf32, #tpu.memory_space<vmem>>) target_semaphore(%arg12 : memref<!tpu.dma_semaphore, #tpu.memory_space<semaphore_mem>>)
    %scan3A_69 = arith.constant 0 : i32
    %scan3A_70 = arith.constant 0 : i32
    %scan3A_71 = arith.constant 10 : i32
    %scan3A_72 = arith.addi %scan3A_70, %scan3A_71 : i32
    %scan3A_73 = arith.constant 1 : i32
    scf.for %scan3A_127 = %scan3A_70 to %scan3A_72 step %scan3A_73  : i32 {
      %mul3A_128 = arith.constant 4 : i32
      %mul3A_129 = arith.muli %scan3A_127, %mul3A_128 : i32
      %add3A_130 = arith.constant 0 : i32
      %add3A_131 = arith.addi %mul3A_129, %add3A_130 : i32
      %mul3A_132 = arith.constant 128 : i32
      %mul3A_133 = arith.muli %add3A_131, %mul3A_132 : i32
      %add3A_134 = arith.addi %mul3A_9, %mul3A_133 : i32
      %dma_wait3A_135 = arith.constant 0 : i32
      %dma_wait3A_136 = arith.constant 0 : i32
      %dma_wait3A_137 = arith.constant 0 : i32
      %dma_wait3A_138 = tpu.memref_slice %arg8[%dma_wait3A_135, %dma_wait3A_136, %dma_wait3A_137] : memref<4x128x16xf32, #tpu.memory_space<vmem>> -> memref<1x128x16xf32, #tpu.memory_space<vmem>>
      %dma_wait3A_139 = tpu.memref_squeeze %dma_wait3A_138 : memref<1x128x16xf32, #tpu.memory_space<vmem>> -> memref<128x16xf32, #tpu.memory_space<vmem>>
      %dma_wait3A_140 = arith.constant 0 : i32
      %dma_wait3A_141 = tpu.memref_slice %arg2[%add3A_134, %dma_wait3A_140] : memref<163840x16xf32, #tpu.memory_space<hbm>> -> memref<128x16xf32, #tpu.memory_space<hbm>>
      %dma_wait3A_142 = arith.constant 0 : i32
      %dma_wait3A_143 = arith.constant 0 : i32
      %dma_wait3A_144 = tpu.memref_slice %arg8[%dma_wait3A_135, %dma_wait3A_142, %dma_wait3A_143] : memref<4x128x16xf32, #tpu.memory_space<vmem>> -> memref<1x128x16xf32, #tpu.memory_space<vmem>>
      %dma_wait3A_145 = tpu.memref_squeeze %dma_wait3A_144 : memref<1x128x16xf32, #tpu.memory_space<vmem>> -> memref<128x16xf32, #tpu.memory_space<vmem>>
      %dma_wait3A_146 = arith.constant 0 : i32
      %dma_wait3A_147 = tpu.memref_slice %arg2[%add3A_134, %dma_wait3A_146] : memref<163840x16xf32, #tpu.memory_space<hbm>> -> memref<128x16xf32, #tpu.memory_space<hbm>>
      tpu.wait_dma2 semaphore(%arg9 : memref<!tpu.dma_semaphore, #tpu.memory_space<semaphore_mem>>) src(%dma_wait3A_147 : memref<128x16xf32, #tpu.memory_space<hbm>>) dst(%dma_wait3A_145 : memref<128x16xf32, #tpu.memory_space<vmem>>)
      %dma_start3A_148 = arith.constant 0 : i32
      %dma_start3A_149 = arith.constant 0 : i32
      %dma_start3A_150 = arith.constant 0 : i32
      %dma_start3A_151 = tpu.memref_slice %arg8[%dma_start3A_148, %dma_start3A_149, %dma_start3A_150] : memref<4x128x16xf32, #tpu.memory_space<vmem>> -> memref<1x128x16xf32, #tpu.memory_space<vmem>>
      %dma_start3A_152 = tpu.memref_squeeze %dma_start3A_151 : memref<1x128x16xf32, #tpu.memory_space<vmem>> -> memref<128x16xf32, #tpu.memory_space<vmem>>
      %dma_start3A_153 = arith.constant 0 : i32
      %dma_start3A_154 = tpu.memref_slice %arg7[%add3A_131, %dma_start3A_153] : memref<40x128xi32, #tpu.memory_space<vmem>> -> memref<1x128xi32, #tpu.memory_space<vmem>>
      %dma_start3A_155 = tpu.memref_squeeze %dma_start3A_154 : memref<1x128xi32, #tpu.memory_space<vmem>> -> memref<128xi32, #tpu.memory_space<vmem>>
      %dma_start3A_156 = arith.constant 0 : i32
      %dma_start3A_157 = arith.constant 0 : i32
      %dma_start3A_158 = tpu.memref_slice %arg5[%dma_start3A_156, %dma_start3A_157] : memref<10240x16xf32, #tpu.memory_space<vmem_shared>> -> memref<10240x16xf32, #tpu.memory_space<vmem_shared>>
      tpu.enqueue_indirect_dma source(%dma_start3A_152 : memref<128x16xf32, #tpu.memory_space<vmem>>) target(%dma_start3A_158 : memref<10240x16xf32, #tpu.memory_space<vmem_shared>>) offsets(%dma_start3A_155 : memref<128xi32, #tpu.memory_space<vmem>>) semaphore(%arg13 : memref<!tpu.dma_semaphore, #tpu.memory_space<semaphore_mem>>) {add = true}
      %mul3A_159 = arith.constant 4 : i32
      %mul3A_160 = arith.muli %scan3A_127, %mul3A_159 : i32
      %add3A_161 = arith.constant 1 : i32
      %add3A_162 = arith.addi %mul3A_160, %add3A_161 : i32
      %mul3A_163 = arith.constant 128 : i32
      %mul3A_164 = arith.muli %add3A_162, %mul3A_163 : i32
      %add3A_165 = arith.addi %mul3A_9, %mul3A_164 : i32
      %dma_wait3A_166 = arith.constant 1 : i32
      %dma_wait3A_167 = arith.constant 0 : i32
      %dma_wait3A_168 = arith.constant 0 : i32
      %dma_wait3A_169 = tpu.memref_slice %arg8[%dma_wait3A_166, %dma_wait3A_167, %dma_wait3A_168] : memref<4x128x16xf32, #tpu.memory_space<vmem>> -> memref<1x128x16xf32, #tpu.memory_space<vmem>>
      %dma_wait3A_170 = tpu.memref_squeeze %dma_wait3A_169 : memref<1x128x16xf32, #tpu.memory_space<vmem>> -> memref<128x16xf32, #tpu.memory_space<vmem>>
      %dma_wait3A_171 = arith.constant 0 : i32
      %dma_wait3A_172 = tpu.memref_slice %arg2[%add3A_165, %dma_wait3A_171] : memref<163840x16xf32, #tpu.memory_space<hbm>> -> memref<128x16xf32, #tpu.memory_space<hbm>>
      %dma_wait3A_173 = arith.constant 0 : i32
      %dma_wait3A_174 = arith.constant 0 : i32
      %dma_wait3A_175 = tpu.memref_slice %arg8[%dma_wait3A_166, %dma_wait3A_173, %dma_wait3A_174] : memref<4x128x16xf32, #tpu.memory_space<vmem>> -> memref<1x128x16xf32, #tpu.memory_space<vmem>>
      %dma_wait3A_176 = tpu.memref_squeeze %dma_wait3A_175 : memref<1x128x16xf32, #tpu.memory_space<vmem>> -> memref<128x16xf32, #tpu.memory_space<vmem>>
      %dma_wait3A_177 = arith.constant 0 : i32
      %dma_wait3A_178 = tpu.memref_slice %arg2[%add3A_165, %dma_wait3A_177] : memref<163840x16xf32, #tpu.memory_space<hbm>> -> memref<128x16xf32, #tpu.memory_space<hbm>>
      tpu.wait_dma2 semaphore(%arg10 : memref<!tpu.dma_semaphore, #tpu.memory_space<semaphore_mem>>) src(%dma_wait3A_178 : memref<128x16xf32, #tpu.memory_space<hbm>>) dst(%dma_wait3A_176 : memref<128x16xf32, #tpu.memory_space<vmem>>)
      %dma_start3A_179 = arith.constant 1 : i32
      %dma_start3A_180 = arith.constant 0 : i32
      %dma_start3A_181 = arith.constant 0 : i32
      %dma_start3A_182 = tpu.memref_slice %arg8[%dma_start3A_179, %dma_start3A_180, %dma_start3A_181] : memref<4x128x16xf32, #tpu.memory_space<vmem>> -> memref<1x128x16xf32, #tpu.memory_space<vmem>>
      %dma_start3A_183 = tpu.memref_squeeze %dma_start3A_182 : memref<1x128x16xf32, #tpu.memory_space<vmem>> -> memref<128x16xf32, #tpu.memory_space<vmem>>
      %dma_start3A_184 = arith.constant 0 : i32
      %dma_start3A_185 = tpu.memref_slice %arg7[%add3A_162, %dma_start3A_184] : memref<40x128xi32, #tpu.memory_space<vmem>> -> memref<1x128xi32, #tpu.memory_space<vmem>>
      %dma_start3A_186 = tpu.memref_squeeze %dma_start3A_185 : memref<1x128xi32, #tpu.memory_space<vmem>> -> memref<128xi32, #tpu.memory_space<vmem>>
      %dma_start3A_187 = arith.constant 0 : i32
      %dma_start3A_188 = arith.constant 0 : i32
      %dma_start3A_189 = tpu.memref_slice %arg5[%dma_start3A_187, %dma_start3A_188] : memref<10240x16xf32, #tpu.memory_space<vmem_shared>> -> memref<10240x16xf32, #tpu.memory_space<vmem_shared>>
      tpu.enqueue_indirect_dma source(%dma_start3A_183 : memref<128x16xf32, #tpu.memory_space<vmem>>) target(%dma_start3A_189 : memref<10240x16xf32, #tpu.memory_space<vmem_shared>>) offsets(%dma_start3A_186 : memref<128xi32, #tpu.memory_space<vmem>>) semaphore(%arg14 : memref<!tpu.dma_semaphore, #tpu.memory_space<semaphore_mem>>) {add = true}
      %mul3A_190 = arith.constant 4 : i32
      %mul3A_191 = arith.muli %scan3A_127, %mul3A_190 : i32
      %add3A_192 = arith.constant 2 : i32
      %add3A_193 = arith.addi %mul3A_191, %add3A_192 : i32
      %mul3A_194 = arith.constant 128 : i32
      %mul3A_195 = arith.muli %add3A_193, %mul3A_194 : i32
      %add3A_196 = arith.addi %mul3A_9, %mul3A_195 : i32
      %dma_wait3A_197 = arith.constant 2 : i32
      %dma_wait3A_198 = arith.constant 0 : i32
      %dma_wait3A_199 = arith.constant 0 : i32
      %dma_wait3A_200 = tpu.memref_slice %arg8[%dma_wait3A_197, %dma_wait3A_198, %dma_wait3A_199] : memref<4x128x16xf32, #tpu.memory_space<vmem>> -> memref<1x128x16xf32, #tpu.memory_space<vmem>>
      %dma_wait3A_201 = tpu.memref_squeeze %dma_wait3A_200 : memref<1x128x16xf32, #tpu.memory_space<vmem>> -> memref<128x16xf32, #tpu.memory_space<vmem>>
      %dma_wait3A_202 = arith.constant 0 : i32
      %dma_wait3A_203 = tpu.memref_slice %arg2[%add3A_196, %dma_wait3A_202] : memref<163840x16xf32, #tpu.memory_space<hbm>> -> memref<128x16xf32, #tpu.memory_space<hbm>>
      %dma_wait3A_204 = arith.constant 0 : i32
      %dma_wait3A_205 = arith.constant 0 : i32
      %dma_wait3A_206 = tpu.memref_slice %arg8[%dma_wait3A_197, %dma_wait3A_204, %dma_wait3A_205] : memref<4x128x16xf32, #tpu.memory_space<vmem>> -> memref<1x128x16xf32, #tpu.memory_space<vmem>>
      %dma_wait3A_207 = tpu.memref_squeeze %dma_wait3A_206 : memref<1x128x16xf32, #tpu.memory_space<vmem>> -> memref<128x16xf32, #tpu.memory_space<vmem>>
      %dma_wait3A_208 = arith.constant 0 : i32
      %dma_wait3A_209 = tpu.memref_slice %arg2[%add3A_196, %dma_wait3A_208] : memref<163840x16xf32, #tpu.memory_space<hbm>> -> memref<128x16xf32, #tpu.memory_space<hbm>>
      tpu.wait_dma2 semaphore(%arg11 : memref<!tpu.dma_semaphore, #tpu.memory_space<semaphore_mem>>) src(%dma_wait3A_209 : memref<128x16xf32, #tpu.memory_space<hbm>>) dst(%dma_wait3A_207 : memref<128x16xf32, #tpu.memory_space<vmem>>)
      %dma_start3A_210 = arith.constant 2 : i32
      %dma_start3A_211 = arith.constant 0 : i32
      %dma_start3A_212 = arith.constant 0 : i32
      %dma_start3A_213 = tpu.memref_slice %arg8[%dma_start3A_210, %dma_start3A_211, %dma_start3A_212] : memref<4x128x16xf32, #tpu.memory_space<vmem>> -> memref<1x128x16xf32, #tpu.memory_space<vmem>>
      %dma_start3A_214 = tpu.memref_squeeze %dma_start3A_213 : memref<1x128x16xf32, #tpu.memory_space<vmem>> -> memref<128x16xf32, #tpu.memory_space<vmem>>
      %dma_start3A_215 = arith.constant 0 : i32
      %dma_start3A_216 = tpu.memref_slice %arg7[%add3A_193, %dma_start3A_215] : memref<40x128xi32, #tpu.memory_space<vmem>> -> memref<1x128xi32, #tpu.memory_space<vmem>>
      %dma_start3A_217 = tpu.memref_squeeze %dma_start3A_216 : memref<1x128xi32, #tpu.memory_space<vmem>> -> memref<128xi32, #tpu.memory_space<vmem>>
      %dma_start3A_218 = arith.constant 0 : i32
      %dma_start3A_219 = arith.constant 0 : i32
      %dma_start3A_220 = tpu.memref_slice %arg5[%dma_start3A_218, %dma_start3A_219] : memref<10240x16xf32, #tpu.memory_space<vmem_shared>> -> memref<10240x16xf32, #tpu.memory_space<vmem_shared>>
      tpu.enqueue_indirect_dma source(%dma_start3A_214 : memref<128x16xf32, #tpu.memory_space<vmem>>) target(%dma_start3A_220 : memref<10240x16xf32, #tpu.memory_space<vmem_shared>>) offsets(%dma_start3A_217 : memref<128xi32, #tpu.memory_space<vmem>>) semaphore(%arg15 : memref<!tpu.dma_semaphore, #tpu.memory_space<semaphore_mem>>) {add = true}
      %mul3A_221 = arith.constant 4 : i32
      %mul3A_222 = arith.muli %scan3A_127, %mul3A_221 : i32
      %add3A_223 = arith.constant 3 : i32
      %add3A_224 = arith.addi %mul3A_222, %add3A_223 : i32
      %mul3A_225 = arith.constant 128 : i32
      %mul3A_226 = arith.muli %add3A_224, %mul3A_225 : i32
      %add3A_227 = arith.addi %mul3A_9, %mul3A_226 : i32
      %dma_wait3A_228 = arith.constant 3 : i32
      %dma_wait3A_229 = arith.constant 0 : i32
      %dma_wait3A_230 = arith.constant 0 : i32
      %dma_wait3A_231 = tpu.memref_slice %arg8[%dma_wait3A_228, %dma_wait3A_229, %dma_wait3A_230] : memref<4x128x16xf32, #tpu.memory_space<vmem>> -> memref<1x128x16xf32, #tpu.memory_space<vmem>>
      %dma_wait3A_232 = tpu.memref_squeeze %dma_wait3A_231 : memref<1x128x16xf32, #tpu.memory_space<vmem>> -> memref<128x16xf32, #tpu.memory_space<vmem>>
      %dma_wait3A_233 = arith.constant 0 : i32
      %dma_wait3A_234 = tpu.memref_slice %arg2[%add3A_227, %dma_wait3A_233] : memref<163840x16xf32, #tpu.memory_space<hbm>> -> memref<128x16xf32, #tpu.memory_space<hbm>>
      %dma_wait3A_235 = arith.constant 0 : i32
      %dma_wait3A_236 = arith.constant 0 : i32
      %dma_wait3A_237 = tpu.memref_slice %arg8[%dma_wait3A_228, %dma_wait3A_235, %dma_wait3A_236] : memref<4x128x16xf32, #tpu.memory_space<vmem>> -> memref<1x128x16xf32, #tpu.memory_space<vmem>>
      %dma_wait3A_238 = tpu.memref_squeeze %dma_wait3A_237 : memref<1x128x16xf32, #tpu.memory_space<vmem>> -> memref<128x16xf32, #tpu.memory_space<vmem>>
      %dma_wait3A_239 = arith.constant 0 : i32
      %dma_wait3A_240 = tpu.memref_slice %arg2[%add3A_227, %dma_wait3A_239] : memref<163840x16xf32, #tpu.memory_space<hbm>> -> memref<128x16xf32, #tpu.memory_space<hbm>>
      tpu.wait_dma2 semaphore(%arg12 : memref<!tpu.dma_semaphore, #tpu.memory_space<semaphore_mem>>) src(%dma_wait3A_240 : memref<128x16xf32, #tpu.memory_space<hbm>>) dst(%dma_wait3A_238 : memref<128x16xf32, #tpu.memory_space<vmem>>)
      %dma_start3A_241 = arith.constant 3 : i32
      %dma_start3A_242 = arith.constant 0 : i32
      %dma_start3A_243 = arith.constant 0 : i32
      %dma_start3A_244 = tpu.memref_slice %arg8[%dma_start3A_241, %dma_start3A_242, %dma_start3A_243] : memref<4x128x16xf32, #tpu.memory_space<vmem>> -> memref<1x128x16xf32, #tpu.memory_space<vmem>>
      %dma_start3A_245 = tpu.memref_squeeze %dma_start3A_244 : memref<1x128x16xf32, #tpu.memory_space<vmem>> -> memref<128x16xf32, #tpu.memory_space<vmem>>
      %dma_start3A_246 = arith.constant 0 : i32
      %dma_start3A_247 = tpu.memref_slice %arg7[%add3A_224, %dma_start3A_246] : memref<40x128xi32, #tpu.memory_space<vmem>> -> memref<1x128xi32, #tpu.memory_space<vmem>>
      %dma_start3A_248 = tpu.memref_squeeze %dma_start3A_247 : memref<1x128xi32, #tpu.memory_space<vmem>> -> memref<128xi32, #tpu.memory_space<vmem>>
      %dma_start3A_249 = arith.constant 0 : i32
      %dma_start3A_250 = arith.constant 0 : i32
      %dma_start3A_251 = tpu.memref_slice %arg5[%dma_start3A_249, %dma_start3A_250] : memref<10240x16xf32, #tpu.memory_space<vmem_shared>> -> memref<10240x16xf32, #tpu.memory_space<vmem_shared>>
      tpu.enqueue_indirect_dma source(%dma_start3A_245 : memref<128x16xf32, #tpu.memory_space<vmem>>) target(%dma_start3A_251 : memref<10240x16xf32, #tpu.memory_space<vmem_shared>>) offsets(%dma_start3A_248 : memref<128xi32, #tpu.memory_space<vmem>>) semaphore(%arg16 : memref<!tpu.dma_semaphore, #tpu.memory_space<semaphore_mem>>) {add = true}
      %mul3A_252 = arith.constant 4 : i32
      %mul3A_253 = arith.muli %scan3A_127, %mul3A_252 : i32
      %add3A_254 = arith.constant 0 : i32
      %add3A_255 = arith.addi %mul3A_253, %add3A_254 : i32
      %add3A_256 = arith.constant 4 : i32
      %add3A_257 = arith.addi %add3A_255, %add3A_256 : i32
      %lt3A = arith.constant 40 : i32
      %lt3A_258 = arith.cmpi slt, %add3A_257, %lt3A : i32
      %convert_element_type3A = arith.extui %lt3A_258 : i1 to i32
      %cond3A = arith.constant 0 : i32
      %cond3A_259 = arith.cmpi ne, %convert_element_type3A, %cond3A : i32
      scf.if %cond3A_259 {
        %dma_wait3A_293 = arith.constant 0 : i32
        %dma_wait3A_294 = arith.constant 0 : i32
        %dma_wait3A_295 = arith.constant 0 : i32
        %dma_wait3A_296 = arith.constant 0 : i32
        %dma_wait3A_297 = tpu.memref_slice %arg8[%dma_wait3A_293, %dma_wait3A_295, %dma_wait3A_296] : memref<4x128x16xf32, #tpu.memory_space<vmem>> -> memref<1x128x16xf32, #tpu.memory_space<vmem>>
        %dma_wait3A_298 = tpu.memref_squeeze %dma_wait3A_297 : memref<1x128x16xf32, #tpu.memory_space<vmem>> -> memref<128x16xf32, #tpu.memory_space<vmem>>
        %dma_wait3A_299 = arith.constant 0 : i32
        %dma_wait3A_300 = tpu.memref_slice %arg7[%dma_wait3A_294, %dma_wait3A_299] : memref<40x128xi32, #tpu.memory_space<vmem>> -> memref<1x128xi32, #tpu.memory_space<vmem>>
        %dma_wait3A_301 = tpu.memref_squeeze %dma_wait3A_300 : memref<1x128xi32, #tpu.memory_space<vmem>> -> memref<128xi32, #tpu.memory_space<vmem>>
        %dma_wait3A_302 = arith.constant 0 : i32
        %dma_wait3A_303 = arith.constant 0 : i32
        %dma_wait3A_304 = tpu.memref_slice %arg5[%dma_wait3A_302, %dma_wait3A_303] : memref<10240x16xf32, #tpu.memory_space<vmem_shared>> -> memref<10240x16xf32, #tpu.memory_space<vmem_shared>>
        tpu.wait_indirect_dma semaphore(%arg13 : memref<!tpu.dma_semaphore, #tpu.memory_space<semaphore_mem>>) src(%dma_wait3A_298 : memref<128x16xf32, #tpu.memory_space<vmem>>) dst(%dma_wait3A_304 : memref<10240x16xf32, #tpu.memory_space<vmem_shared>>)
        %mul3A_305 = arith.constant 128 : i32
        %mul3A_306 = arith.muli %add3A_257, %mul3A_305 : i32
        %add3A_307 = arith.addi %mul3A_9, %mul3A_306 : i32
        %dma_start3A_308 = arith.constant 0 : i32
        %dma_start3A_309 = arith.constant 0 : i32
        %dma_start3A_310 = arith.constant 0 : i32
        %dma_start3A_311 = tpu.memref_slice %arg8[%dma_start3A_308, %dma_start3A_309, %dma_start3A_310] : memref<4x128x16xf32, #tpu.memory_space<vmem>> -> memref<1x128x16xf32, #tpu.memory_space<vmem>>
        %dma_start3A_312 = tpu.memref_squeeze %dma_start3A_311 : memref<1x128x16xf32, #tpu.memory_space<vmem>> -> memref<128x16xf32, #tpu.memory_space<vmem>>
        %dma_start3A_313 = arith.constant 0 : i32
        %dma_start3A_314 = tpu.memref_slice %arg2[%add3A_307, %dma_start3A_313] : memref<163840x16xf32, #tpu.memory_space<hbm>> -> memref<128x16xf32, #tpu.memory_space<hbm>>
        %dma_start3A_315 = arith.constant 0 : i32
        %dma_start3A_316 = arith.constant 0 : i32
        %dma_start3A_317 = tpu.memref_slice %arg8[%dma_start3A_308, %dma_start3A_315, %dma_start3A_316] : memref<4x128x16xf32, #tpu.memory_space<vmem>> -> memref<1x128x16xf32, #tpu.memory_space<vmem>>
        %dma_start3A_318 = tpu.memref_squeeze %dma_start3A_317 : memref<1x128x16xf32, #tpu.memory_space<vmem>> -> memref<128x16xf32, #tpu.memory_space<vmem>>
        %dma_start3A_319 = arith.constant 0 : i32
        %dma_start3A_320 = tpu.memref_slice %arg2[%add3A_307, %dma_start3A_319] : memref<163840x16xf32, #tpu.memory_space<hbm>> -> memref<128x16xf32, #tpu.memory_space<hbm>>
        tpu.enqueue_dma source(%dma_start3A_320 : memref<128x16xf32, #tpu.memory_space<hbm>>) target(%dma_start3A_318 : memref<128x16xf32, #tpu.memory_space<vmem>>) target_semaphore(%arg9 : memref<!tpu.dma_semaphore, #tpu.memory_space<semaphore_mem>>)
      } else {
      }
      %mul3A_260 = arith.constant 4 : i32
      %mul3A_261 = arith.muli %scan3A_127, %mul3A_260 : i32
      %add3A_262 = arith.constant 1 : i32
      %add3A_263 = arith.addi %mul3A_261, %add3A_262 : i32
      %add3A_264 = arith.constant 4 : i32
      %add3A_265 = arith.addi %add3A_263, %add3A_264 : i32
      %lt3A_266 = arith.constant 40 : i32
      %lt3A_267 = arith.cmpi slt, %add3A_265, %lt3A_266 : i32
      %convert_element_type3A_268 = arith.extui %lt3A_267 : i1 to i32
      %cond3A_269 = arith.constant 0 : i32
      %cond3A_270 = arith.cmpi ne, %convert_element_type3A_268, %cond3A_269 : i32
      scf.if %cond3A_270 {
        %dma_wait3A_293 = arith.constant 1 : i32
        %dma_wait3A_294 = arith.constant 0 : i32
        %dma_wait3A_295 = arith.constant 0 : i32
        %dma_wait3A_296 = arith.constant 0 : i32
        %dma_wait3A_297 = tpu.memref_slice %arg8[%dma_wait3A_293, %dma_wait3A_295, %dma_wait3A_296] : memref<4x128x16xf32, #tpu.memory_space<vmem>> -> memref<1x128x16xf32, #tpu.memory_space<vmem>>
        %dma_wait3A_298 = tpu.memref_squeeze %dma_wait3A_297 : memref<1x128x16xf32, #tpu.memory_space<vmem>> -> memref<128x16xf32, #tpu.memory_space<vmem>>
        %dma_wait3A_299 = arith.constant 0 : i32
        %dma_wait3A_300 = tpu.memref_slice %arg7[%dma_wait3A_294, %dma_wait3A_299] : memref<40x128xi32, #tpu.memory_space<vmem>> -> memref<1x128xi32, #tpu.memory_space<vmem>>
        %dma_wait3A_301 = tpu.memref_squeeze %dma_wait3A_300 : memref<1x128xi32, #tpu.memory_space<vmem>> -> memref<128xi32, #tpu.memory_space<vmem>>
        %dma_wait3A_302 = arith.constant 0 : i32
        %dma_wait3A_303 = arith.constant 0 : i32
        %dma_wait3A_304 = tpu.memref_slice %arg5[%dma_wait3A_302, %dma_wait3A_303] : memref<10240x16xf32, #tpu.memory_space<vmem_shared>> -> memref<10240x16xf32, #tpu.memory_space<vmem_shared>>
        tpu.wait_indirect_dma semaphore(%arg14 : memref<!tpu.dma_semaphore, #tpu.memory_space<semaphore_mem>>) src(%dma_wait3A_298 : memref<128x16xf32, #tpu.memory_space<vmem>>) dst(%dma_wait3A_304 : memref<10240x16xf32, #tpu.memory_space<vmem_shared>>)
        %mul3A_305 = arith.constant 128 : i32
        %mul3A_306 = arith.muli %add3A_265, %mul3A_305 : i32
        %add3A_307 = arith.addi %mul3A_9, %mul3A_306 : i32
        %dma_start3A_308 = arith.constant 1 : i32
        %dma_start3A_309 = arith.constant 0 : i32
        %dma_start3A_310 = arith.constant 0 : i32
        %dma_start3A_311 = tpu.memref_slice %arg8[%dma_start3A_308, %dma_start3A_309, %dma_start3A_310] : memref<4x128x16xf32, #tpu.memory_space<vmem>> -> memref<1x128x16xf32, #tpu.memory_space<vmem>>
        %dma_start3A_312 = tpu.memref_squeeze %dma_start3A_311 : memref<1x128x16xf32, #tpu.memory_space<vmem>> -> memref<128x16xf32, #tpu.memory_space<vmem>>
        %dma_start3A_313 = arith.constant 0 : i32
        %dma_start3A_314 = tpu.memref_slice %arg2[%add3A_307, %dma_start3A_313] : memref<163840x16xf32, #tpu.memory_space<hbm>> -> memref<128x16xf32, #tpu.memory_space<hbm>>
        %dma_start3A_315 = arith.constant 0 : i32
        %dma_start3A_316 = arith.constant 0 : i32
        %dma_start3A_317 = tpu.memref_slice %arg8[%dma_start3A_308, %dma_start3A_315, %dma_start3A_316] : memref<4x128x16xf32, #tpu.memory_space<vmem>> -> memref<1x128x16xf32, #tpu.memory_space<vmem>>
        %dma_start3A_318 = tpu.memref_squeeze %dma_start3A_317 : memref<1x128x16xf32, #tpu.memory_space<vmem>> -> memref<128x16xf32, #tpu.memory_space<vmem>>
        %dma_start3A_319 = arith.constant 0 : i32
        %dma_start3A_320 = tpu.memref_slice %arg2[%add3A_307, %dma_start3A_319] : memref<163840x16xf32, #tpu.memory_space<hbm>> -> memref<128x16xf32, #tpu.memory_space<hbm>>
        tpu.enqueue_dma source(%dma_start3A_320 : memref<128x16xf32, #tpu.memory_space<hbm>>) target(%dma_start3A_318 : memref<128x16xf32, #tpu.memory_space<vmem>>) target_semaphore(%arg10 : memref<!tpu.dma_semaphore, #tpu.memory_space<semaphore_mem>>)
      } else {
      }
      %mul3A_271 = arith.constant 4 : i32
      %mul3A_272 = arith.muli %scan3A_127, %mul3A_271 : i32
      %add3A_273 = arith.constant 2 : i32
      %add3A_274 = arith.addi %mul3A_272, %add3A_273 : i32
      %add3A_275 = arith.constant 4 : i32
      %add3A_276 = arith.addi %add3A_274, %add3A_275 : i32
      %lt3A_277 = arith.constant 40 : i32
      %lt3A_278 = arith.cmpi slt, %add3A_276, %lt3A_277 : i32
      %convert_element_type3A_279 = arith.extui %lt3A_278 : i1 to i32
      %cond3A_280 = arith.constant 0 : i32
      %cond3A_281 = arith.cmpi ne, %convert_element_type3A_279, %cond3A_280 : i32
      scf.if %cond3A_281 {
        %dma_wait3A_293 = arith.constant 2 : i32
        %dma_wait3A_294 = arith.constant 0 : i32
        %dma_wait3A_295 = arith.constant 0 : i32
        %dma_wait3A_296 = arith.constant 0 : i32
        %dma_wait3A_297 = tpu.memref_slice %arg8[%dma_wait3A_293, %dma_wait3A_295, %dma_wait3A_296] : memref<4x128x16xf32, #tpu.memory_space<vmem>> -> memref<1x128x16xf32, #tpu.memory_space<vmem>>
        %dma_wait3A_298 = tpu.memref_squeeze %dma_wait3A_297 : memref<1x128x16xf32, #tpu.memory_space<vmem>> -> memref<128x16xf32, #tpu.memory_space<vmem>>
        %dma_wait3A_299 = arith.constant 0 : i32
        %dma_wait3A_300 = tpu.memref_slice %arg7[%dma_wait3A_294, %dma_wait3A_299] : memref<40x128xi32, #tpu.memory_space<vmem>> -> memref<1x128xi32, #tpu.memory_space<vmem>>
        %dma_wait3A_301 = tpu.memref_squeeze %dma_wait3A_300 : memref<1x128xi32, #tpu.memory_space<vmem>> -> memref<128xi32, #tpu.memory_space<vmem>>
        %dma_wait3A_302 = arith.constant 0 : i32
        %dma_wait3A_303 = arith.constant 0 : i32
        %dma_wait3A_304 = tpu.memref_slice %arg5[%dma_wait3A_302, %dma_wait3A_303] : memref<10240x16xf32, #tpu.memory_space<vmem_shared>> -> memref<10240x16xf32, #tpu.memory_space<vmem_shared>>
        tpu.wait_indirect_dma semaphore(%arg15 : memref<!tpu.dma_semaphore, #tpu.memory_space<semaphore_mem>>) src(%dma_wait3A_298 : memref<128x16xf32, #tpu.memory_space<vmem>>) dst(%dma_wait3A_304 : memref<10240x16xf32, #tpu.memory_space<vmem_shared>>)
        %mul3A_305 = arith.constant 128 : i32
        %mul3A_306 = arith.muli %add3A_276, %mul3A_305 : i32
        %add3A_307 = arith.addi %mul3A_9, %mul3A_306 : i32
        %dma_start3A_308 = arith.constant 2 : i32
        %dma_start3A_309 = arith.constant 0 : i32
        %dma_start3A_310 = arith.constant 0 : i32
        %dma_start3A_311 = tpu.memref_slice %arg8[%dma_start3A_308, %dma_start3A_309, %dma_start3A_310] : memref<4x128x16xf32, #tpu.memory_space<vmem>> -> memref<1x128x16xf32, #tpu.memory_space<vmem>>
        %dma_start3A_312 = tpu.memref_squeeze %dma_start3A_311 : memref<1x128x16xf32, #tpu.memory_space<vmem>> -> memref<128x16xf32, #tpu.memory_space<vmem>>
        %dma_start3A_313 = arith.constant 0 : i32
        %dma_start3A_314 = tpu.memref_slice %arg2[%add3A_307, %dma_start3A_313] : memref<163840x16xf32, #tpu.memory_space<hbm>> -> memref<128x16xf32, #tpu.memory_space<hbm>>
        %dma_start3A_315 = arith.constant 0 : i32
        %dma_start3A_316 = arith.constant 0 : i32
        %dma_start3A_317 = tpu.memref_slice %arg8[%dma_start3A_308, %dma_start3A_315, %dma_start3A_316] : memref<4x128x16xf32, #tpu.memory_space<vmem>> -> memref<1x128x16xf32, #tpu.memory_space<vmem>>
        %dma_start3A_318 = tpu.memref_squeeze %dma_start3A_317 : memref<1x128x16xf32, #tpu.memory_space<vmem>> -> memref<128x16xf32, #tpu.memory_space<vmem>>
        %dma_start3A_319 = arith.constant 0 : i32
        %dma_start3A_320 = tpu.memref_slice %arg2[%add3A_307, %dma_start3A_319] : memref<163840x16xf32, #tpu.memory_space<hbm>> -> memref<128x16xf32, #tpu.memory_space<hbm>>
        tpu.enqueue_dma source(%dma_start3A_320 : memref<128x16xf32, #tpu.memory_space<hbm>>) target(%dma_start3A_318 : memref<128x16xf32, #tpu.memory_space<vmem>>) target_semaphore(%arg11 : memref<!tpu.dma_semaphore, #tpu.memory_space<semaphore_mem>>)
      } else {
      }
      %mul3A_282 = arith.constant 4 : i32
      %mul3A_283 = arith.muli %scan3A_127, %mul3A_282 : i32
      %add3A_284 = arith.constant 3 : i32
      %add3A_285 = arith.addi %mul3A_283, %add3A_284 : i32
      %add3A_286 = arith.constant 4 : i32
      %add3A_287 = arith.addi %add3A_285, %add3A_286 : i32
      %lt3A_288 = arith.constant 40 : i32
      %lt3A_289 = arith.cmpi slt, %add3A_287, %lt3A_288 : i32
      %convert_element_type3A_290 = arith.extui %lt3A_289 : i1 to i32
      %cond3A_291 = arith.constant 0 : i32
      %cond3A_292 = arith.cmpi ne, %convert_element_type3A_290, %cond3A_291 : i32
      scf.if %cond3A_292 {
        %dma_wait3A_293 = arith.constant 3 : i32
        %dma_wait3A_294 = arith.constant 0 : i32
        %dma_wait3A_295 = arith.constant 0 : i32
        %dma_wait3A_296 = arith.constant 0 : i32
        %dma_wait3A_297 = tpu.memref_slice %arg8[%dma_wait3A_293, %dma_wait3A_295, %dma_wait3A_296] : memref<4x128x16xf32, #tpu.memory_space<vmem>> -> memref<1x128x16xf32, #tpu.memory_space<vmem>>
        %dma_wait3A_298 = tpu.memref_squeeze %dma_wait3A_297 : memref<1x128x16xf32, #tpu.memory_space<vmem>> -> memref<128x16xf32, #tpu.memory_space<vmem>>
        %dma_wait3A_299 = arith.constant 0 : i32
        %dma_wait3A_300 = tpu.memref_slice %arg7[%dma_wait3A_294, %dma_wait3A_299] : memref<40x128xi32, #tpu.memory_space<vmem>> -> memref<1x128xi32, #tpu.memory_space<vmem>>
        %dma_wait3A_301 = tpu.memref_squeeze %dma_wait3A_300 : memref<1x128xi32, #tpu.memory_space<vmem>> -> memref<128xi32, #tpu.memory_space<vmem>>
        %dma_wait3A_302 = arith.constant 0 : i32
        %dma_wait3A_303 = arith.constant 0 : i32
        %dma_wait3A_304 = tpu.memref_slice %arg5[%dma_wait3A_302, %dma_wait3A_303] : memref<10240x16xf32, #tpu.memory_space<vmem_shared>> -> memref<10240x16xf32, #tpu.memory_space<vmem_shared>>
        tpu.wait_indirect_dma semaphore(%arg16 : memref<!tpu.dma_semaphore, #tpu.memory_space<semaphore_mem>>) src(%dma_wait3A_298 : memref<128x16xf32, #tpu.memory_space<vmem>>) dst(%dma_wait3A_304 : memref<10240x16xf32, #tpu.memory_space<vmem_shared>>)
        %mul3A_305 = arith.constant 128 : i32
        %mul3A_306 = arith.muli %add3A_287, %mul3A_305 : i32
        %add3A_307 = arith.addi %mul3A_9, %mul3A_306 : i32
        %dma_start3A_308 = arith.constant 3 : i32
        %dma_start3A_309 = arith.constant 0 : i32
        %dma_start3A_310 = arith.constant 0 : i32
        %dma_start3A_311 = tpu.memref_slice %arg8[%dma_start3A_308, %dma_start3A_309, %dma_start3A_310] : memref<4x128x16xf32, #tpu.memory_space<vmem>> -> memref<1x128x16xf32, #tpu.memory_space<vmem>>
        %dma_start3A_312 = tpu.memref_squeeze %dma_start3A_311 : memref<1x128x16xf32, #tpu.memory_space<vmem>> -> memref<128x16xf32, #tpu.memory_space<vmem>>
        %dma_start3A_313 = arith.constant 0 : i32
        %dma_start3A_314 = tpu.memref_slice %arg2[%add3A_307, %dma_start3A_313] : memref<163840x16xf32, #tpu.memory_space<hbm>> -> memref<128x16xf32, #tpu.memory_space<hbm>>
        %dma_start3A_315 = arith.constant 0 : i32
        %dma_start3A_316 = arith.constant 0 : i32
        %dma_start3A_317 = tpu.memref_slice %arg8[%dma_start3A_308, %dma_start3A_315, %dma_start3A_316] : memref<4x128x16xf32, #tpu.memory_space<vmem>> -> memref<1x128x16xf32, #tpu.memory_space<vmem>>
        %dma_start3A_318 = tpu.memref_squeeze %dma_start3A_317 : memref<1x128x16xf32, #tpu.memory_space<vmem>> -> memref<128x16xf32, #tpu.memory_space<vmem>>
        %dma_start3A_319 = arith.constant 0 : i32
        %dma_start3A_320 = tpu.memref_slice %arg2[%add3A_307, %dma_start3A_319] : memref<163840x16xf32, #tpu.memory_space<hbm>> -> memref<128x16xf32, #tpu.memory_space<hbm>>
        tpu.enqueue_dma source(%dma_start3A_320 : memref<128x16xf32, #tpu.memory_space<hbm>>) target(%dma_start3A_318 : memref<128x16xf32, #tpu.memory_space<vmem>>) target_semaphore(%arg12 : memref<!tpu.dma_semaphore, #tpu.memory_space<semaphore_mem>>)
      } else {
      }
    }
    %scan3A_74 = arith.constant 10 : i32
    %dma_wait3A = arith.constant 0 : i32
    %dma_wait3A_75 = arith.constant 0 : i32
    %dma_wait3A_76 = arith.constant 0 : i32
    %dma_wait3A_77 = arith.constant 0 : i32
    %dma_wait3A_78 = tpu.memref_slice %arg8[%dma_wait3A, %dma_wait3A_76, %dma_wait3A_77] : memref<4x128x16xf32, #tpu.memory_space<vmem>> -> memref<1x128x16xf32, #tpu.memory_space<vmem>>
    %dma_wait3A_79 = tpu.memref_squeeze %dma_wait3A_78 : memref<1x128x16xf32, #tpu.memory_space<vmem>> -> memref<128x16xf32, #tpu.memory_space<vmem>>
    %dma_wait3A_80 = arith.constant 0 : i32
    %dma_wait3A_81 = tpu.memref_slice %arg7[%dma_wait3A_75, %dma_wait3A_80] : memref<40x128xi32, #tpu.memory_space<vmem>> -> memref<1x128xi32, #tpu.memory_space<vmem>>
    %dma_wait3A_82 = tpu.memref_squeeze %dma_wait3A_81 : memref<1x128xi32, #tpu.memory_space<vmem>> -> memref<128xi32, #tpu.memory_space<vmem>>
    %dma_wait3A_83 = arith.constant 0 : i32
    %dma_wait3A_84 = arith.constant 0 : i32
    %dma_wait3A_85 = tpu.memref_slice %arg5[%dma_wait3A_83, %dma_wait3A_84] : memref<10240x16xf32, #tpu.memory_space<vmem_shared>> -> memref<10240x16xf32, #tpu.memory_space<vmem_shared>>
    tpu.wait_indirect_dma semaphore(%arg13 : memref<!tpu.dma_semaphore, #tpu.memory_space<semaphore_mem>>) src(%dma_wait3A_79 : memref<128x16xf32, #tpu.memory_space<vmem>>) dst(%dma_wait3A_85 : memref<10240x16xf32, #tpu.memory_space<vmem_shared>>)
    %dma_wait3A_86 = arith.constant 1 : i32
    %dma_wait3A_87 = arith.constant 0 : i32
    %dma_wait3A_88 = arith.constant 0 : i32
    %dma_wait3A_89 = arith.constant 0 : i32
    %dma_wait3A_90 = tpu.memref_slice %arg8[%dma_wait3A_86, %dma_wait3A_88, %dma_wait3A_89] : memref<4x128x16xf32, #tpu.memory_space<vmem>> -> memref<1x128x16xf32, #tpu.memory_space<vmem>>
    %dma_wait3A_91 = tpu.memref_squeeze %dma_wait3A_90 : memref<1x128x16xf32, #tpu.memory_space<vmem>> -> memref<128x16xf32, #tpu.memory_space<vmem>>
    %dma_wait3A_92 = arith.constant 0 : i32
    %dma_wait3A_93 = tpu.memref_slice %arg7[%dma_wait3A_87, %dma_wait3A_92] : memref<40x128xi32, #tpu.memory_space<vmem>> -> memref<1x128xi32, #tpu.memory_space<vmem>>
    %dma_wait3A_94 = tpu.memref_squeeze %dma_wait3A_93 : memref<1x128xi32, #tpu.memory_space<vmem>> -> memref<128xi32, #tpu.memory_space<vmem>>
    %dma_wait3A_95 = arith.constant 0 : i32
    %dma_wait3A_96 = arith.constant 0 : i32
    %dma_wait3A_97 = tpu.memref_slice %arg5[%dma_wait3A_95, %dma_wait3A_96] : memref<10240x16xf32, #tpu.memory_space<vmem_shared>> -> memref<10240x16xf32, #tpu.memory_space<vmem_shared>>
    tpu.wait_indirect_dma semaphore(%arg14 : memref<!tpu.dma_semaphore, #tpu.memory_space<semaphore_mem>>) src(%dma_wait3A_91 : memref<128x16xf32, #tpu.memory_space<vmem>>) dst(%dma_wait3A_97 : memref<10240x16xf32, #tpu.memory_space<vmem_shared>>)
    %dma_wait3A_98 = arith.constant 2 : i32
    %dma_wait3A_99 = arith.constant 0 : i32
    %dma_wait3A_100 = arith.constant 0 : i32
    %dma_wait3A_101 = arith.constant 0 : i32
    %dma_wait3A_102 = tpu.memref_slice %arg8[%dma_wait3A_98, %dma_wait3A_100, %dma_wait3A_101] : memref<4x128x16xf32, #tpu.memory_space<vmem>> -> memref<1x128x16xf32, #tpu.memory_space<vmem>>
    %dma_wait3A_103 = tpu.memref_squeeze %dma_wait3A_102 : memref<1x128x16xf32, #tpu.memory_space<vmem>> -> memref<128x16xf32, #tpu.memory_space<vmem>>
    %dma_wait3A_104 = arith.constant 0 : i32
    %dma_wait3A_105 = tpu.memref_slice %arg7[%dma_wait3A_99, %dma_wait3A_104] : memref<40x128xi32, #tpu.memory_space<vmem>> -> memref<1x128xi32, #tpu.memory_space<vmem>>
    %dma_wait3A_106 = tpu.memref_squeeze %dma_wait3A_105 : memref<1x128xi32, #tpu.memory_space<vmem>> -> memref<128xi32, #tpu.memory_space<vmem>>
    %dma_wait3A_107 = arith.constant 0 : i32
    %dma_wait3A_108 = arith.constant 0 : i32
    %dma_wait3A_109 = tpu.memref_slice %arg5[%dma_wait3A_107, %dma_wait3A_108] : memref<10240x16xf32, #tpu.memory_space<vmem_shared>> -> memref<10240x16xf32, #tpu.memory_space<vmem_shared>>
    tpu.wait_indirect_dma semaphore(%arg15 : memref<!tpu.dma_semaphore, #tpu.memory_space<semaphore_mem>>) src(%dma_wait3A_103 : memref<128x16xf32, #tpu.memory_space<vmem>>) dst(%dma_wait3A_109 : memref<10240x16xf32, #tpu.memory_space<vmem_shared>>)
    %dma_wait3A_110 = arith.constant 3 : i32
    %dma_wait3A_111 = arith.constant 0 : i32
    %dma_wait3A_112 = arith.constant 0 : i32
    %dma_wait3A_113 = arith.constant 0 : i32
    %dma_wait3A_114 = tpu.memref_slice %arg8[%dma_wait3A_110, %dma_wait3A_112, %dma_wait3A_113] : memref<4x128x16xf32, #tpu.memory_space<vmem>> -> memref<1x128x16xf32, #tpu.memory_space<vmem>>
    %dma_wait3A_115 = tpu.memref_squeeze %dma_wait3A_114 : memref<1x128x16xf32, #tpu.memory_space<vmem>> -> memref<128x16xf32, #tpu.memory_space<vmem>>
    %dma_wait3A_116 = arith.constant 0 : i32
    %dma_wait3A_117 = tpu.memref_slice %arg7[%dma_wait3A_111, %dma_wait3A_116] : memref<40x128xi32, #tpu.memory_space<vmem>> -> memref<1x128xi32, #tpu.memory_space<vmem>>
    %dma_wait3A_118 = tpu.memref_squeeze %dma_wait3A_117 : memref<1x128xi32, #tpu.memory_space<vmem>> -> memref<128xi32, #tpu.memory_space<vmem>>
    %dma_wait3A_119 = arith.constant 0 : i32
    %dma_wait3A_120 = arith.constant 0 : i32
    %dma_wait3A_121 = tpu.memref_slice %arg5[%dma_wait3A_119, %dma_wait3A_120] : memref<10240x16xf32, #tpu.memory_space<vmem_shared>> -> memref<10240x16xf32, #tpu.memory_space<vmem_shared>>
    tpu.wait_indirect_dma semaphore(%arg16 : memref<!tpu.dma_semaphore, #tpu.memory_space<semaphore_mem>>) src(%dma_wait3A_115 : memref<128x16xf32, #tpu.memory_space<vmem>>) dst(%dma_wait3A_121 : memref<10240x16xf32, #tpu.memory_space<vmem_shared>>)
    %barrier3A_122 = arith.constant 0 : index
    tpu.barrier barrier_id(%barrier3A_122)
    %mul3A_123 = arith.constant 640 : i32
    %mul3A_124 = arith.muli %arg1, %mul3A_123 : i32
    %mul3A_125 = arith.constant 640 : i32
    %mul3A_126 = arith.muli %arg1, %mul3A_125 : i32
    "tpu.region"() ({
      %run_scoped3A = tpu.sem_alloc : memref<!tpu.dma_semaphore, #tpu.memory_space<semaphore_mem>>
      %dma_start3A_127 = arith.constant 0 : i32
      %dma_start3A_128 = tpu.memref_slice %arg4[%arg0, %mul3A_126, %dma_start3A_127] : memref<2x10240x16xf32, #tpu.memory_space<hbm>> -> memref<1x640x16xf32, #tpu.memory_space<hbm>>
      %dma_start3A_129 = tpu.memref_squeeze %dma_start3A_128 : memref<1x640x16xf32, #tpu.memory_space<hbm>> -> memref<640x16xf32, #tpu.memory_space<hbm>>
      %dma_start3A_130 = arith.constant 0 : i32
      %dma_start3A_131 = tpu.memref_slice %arg5[%mul3A_124, %dma_start3A_130] : memref<10240x16xf32, #tpu.memory_space<vmem_shared>> -> memref<640x16xf32, #tpu.memory_space<vmem_shared>>
      tpu.enqueue_dma source(%dma_start3A_131 : memref<640x16xf32, #tpu.memory_space<vmem_shared>>) target(%dma_start3A_129 : memref<640x16xf32, #tpu.memory_space<hbm>>) target_semaphore(%run_scoped3A : memref<!tpu.dma_semaphore, #tpu.memory_space<semaphore_mem>>)
      %dma_wait3A_132 = arith.constant 0 : i32
      %dma_wait3A_133 = tpu.memref_slice %arg4[%arg0, %mul3A_126, %dma_wait3A_132] : memref<2x10240x16xf32, #tpu.memory_space<hbm>> -> memref<1x640x16xf32, #tpu.memory_space<hbm>>
      %dma_wait3A_134 = tpu.memref_squeeze %dma_wait3A_133 : memref<1x640x16xf32, #tpu.memory_space<hbm>> -> memref<640x16xf32, #tpu.memory_space<hbm>>
      %dma_wait3A_135 = arith.constant 0 : i32
      %dma_wait3A_136 = tpu.memref_slice %arg5[%mul3A_124, %dma_wait3A_135] : memref<10240x16xf32, #tpu.memory_space<vmem_shared>> -> memref<640x16xf32, #tpu.memory_space<vmem_shared>>
      tpu.wait_dma2 semaphore(%run_scoped3A : memref<!tpu.dma_semaphore, #tpu.memory_space<semaphore_mem>>) src(%dma_wait3A_136 : memref<640x16xf32, #tpu.memory_space<vmem_shared>>) dst(%dma_wait3A_134 : memref<640x16xf32, #tpu.memory_space<hbm>>)
      tpu.yield
    }) : () -> ()
    return
  }
}

#map = affine_map<(d0, d1) -> (0, 0)>
#map1 = affine_map<(d0, d1) -> (0, 0, 0)>
#map2 = affine_map<(d0, d1) -> (0)>
module attributes {stable_mosaic.version = 14 : i64} {
  func.func @_gather_body(%arg0: i32, %arg1: i32, %arg2: memref<10000x16xf32, #tpu.memory_space<hbm>>, %arg3: memref<32x40x128xi32, #tpu.memory_space<hbm>>, %arg4: memref<4x163840xf32, #tpu.memory_space<hbm>>, %arg5: memref<163840xf32, #tpu.memory_space<hbm>>, %arg6: memref<163840x16xf32, #tpu.memory_space<hbm>>, %arg7: memref<20480x128xf32, #tpu.memory_space<hbm>>, %arg8: memref<10000x16xf32, #tpu.memory_space<vmem_shared>>, %arg9: memref<40x128xi32, #tpu.memory_space<vmem>>, %arg10: memref<4x128x16xf32, #tpu.memory_space<vmem>>, %arg11: memref<4x5120xf32, #tpu.memory_space<vmem>>, %arg12: memref<5120xf32, #tpu.memory_space<vmem>>, %arg13: memref<640x32xf32, #tpu.memory_space<vmem>>, %arg14: memref<!tpu.dma_semaphore, #tpu.memory_space<semaphore_mem>>, %arg15: memref<!tpu.dma_semaphore, #tpu.memory_space<semaphore_mem>>, %arg16: memref<!tpu.dma_semaphore, #tpu.memory_space<semaphore_mem>>, %arg17: memref<!tpu.dma_semaphore, #tpu.memory_space<semaphore_mem>>, %arg18: memref<!tpu.dma_semaphore, #tpu.memory_space<semaphore_mem>>, %arg19: memref<!tpu.dma_semaphore, #tpu.memory_space<semaphore_mem>>, %arg20: memref<!tpu.dma_semaphore, #tpu.memory_space<semaphore_mem>>, %arg21: memref<!tpu.dma_semaphore, #tpu.memory_space<semaphore_mem>>) attributes {dimension_semantics = [#tpu.dimension_semantics<core_parallel>, #tpu.dimension_semantics<subcore_parallel>], iteration_bounds = array<i64: 2, 16>, scalar_prefetch = 0 : i64, scratch_operands = 14 : i64, tpu.core_type = #tpu.core_type<sc_vector_subcore>, window_params = [{transform_indices = #map}, {transform_indices = #map1}, {transform_indices = #map}, {transform_indices = #map2}, {transform_indices = #map}, {transform_indices = #map}]} {
    %mul3A = arith.constant 16 : i32
    %mul3A_0 = arith.muli %arg0, %mul3A : i32
    %add3A = arith.addi %mul3A_0, %arg1 : i32
    %eq3A = arith.constant 0 : i32
    %eq3A_1 = arith.cmpi eq, %arg1, %eq3A : i32
    %convert_element_type3A = arith.extui %eq3A_1 : i1 to i32
    %cond3A = arith.constant 0 : i32
    %cond3A_2 = arith.cmpi ne, %convert_element_type3A, %cond3A : i32
    scf.if %cond3A_2 {
      "tpu.region"() ({
        %run_scoped3A_129 = tpu.sem_alloc : memref<!tpu.dma_semaphore, #tpu.memory_space<semaphore_mem>>
        tpu.enqueue_dma source(%arg2 : memref<10000x16xf32, #tpu.memory_space<hbm>>) target(%arg8 : memref<10000x16xf32, #tpu.memory_space<vmem_shared>>) target_semaphore(%run_scoped3A_129 : memref<!tpu.dma_semaphore, #tpu.memory_space<semaphore_mem>>)
        tpu.wait_dma2 semaphore(%run_scoped3A_129 : memref<!tpu.dma_semaphore, #tpu.memory_space<semaphore_mem>>) src(%arg2 : memref<10000x16xf32, #tpu.memory_space<hbm>>) dst(%arg8 : memref<10000x16xf32, #tpu.memory_space<vmem_shared>>)
        tpu.yield
      }) : () -> ()
    } else {
    }
    "tpu.region"() ({
      %run_scoped3A_129 = tpu.sem_alloc : memref<!tpu.dma_semaphore, #tpu.memory_space<semaphore_mem>>
      %dma_start3A_130 = arith.constant 0 : i32
      %dma_start3A_131 = arith.constant 0 : i32
      %dma_start3A_132 = tpu.memref_slice %arg3[%add3A, %dma_start3A_130, %dma_start3A_131] : memref<32x40x128xi32, #tpu.memory_space<hbm>> -> memref<1x40x128xi32, #tpu.memory_space<hbm>>
      %dma_start3A_133 = tpu.memref_squeeze %dma_start3A_132 : memref<1x40x128xi32, #tpu.memory_space<hbm>> -> memref<40x128xi32, #tpu.memory_space<hbm>>
      %dma_start3A_134 = arith.constant 0 : i32
      %dma_start3A_135 = arith.constant 0 : i32
      %dma_start3A_136 = tpu.memref_slice %arg3[%add3A, %dma_start3A_134, %dma_start3A_135] : memref<32x40x128xi32, #tpu.memory_space<hbm>> -> memref<1x40x128xi32, #tpu.memory_space<hbm>>
      %dma_start3A_137 = tpu.memref_squeeze %dma_start3A_136 : memref<1x40x128xi32, #tpu.memory_space<hbm>> -> memref<40x128xi32, #tpu.memory_space<hbm>>
      tpu.enqueue_dma source(%dma_start3A_137 : memref<40x128xi32, #tpu.memory_space<hbm>>) target(%arg9 : memref<40x128xi32, #tpu.memory_space<vmem>>) target_semaphore(%run_scoped3A_129 : memref<!tpu.dma_semaphore, #tpu.memory_space<semaphore_mem>>)
      %dma_wait3A_138 = arith.constant 0 : i32
      %dma_wait3A_139 = arith.constant 0 : i32
      %dma_wait3A_140 = tpu.memref_slice %arg3[%add3A, %dma_wait3A_138, %dma_wait3A_139] : memref<32x40x128xi32, #tpu.memory_space<hbm>> -> memref<1x40x128xi32, #tpu.memory_space<hbm>>
      %dma_wait3A_141 = tpu.memref_squeeze %dma_wait3A_140 : memref<1x40x128xi32, #tpu.memory_space<hbm>> -> memref<40x128xi32, #tpu.memory_space<hbm>>
      %dma_wait3A_142 = arith.constant 0 : i32
      %dma_wait3A_143 = arith.constant 0 : i32
      %dma_wait3A_144 = tpu.memref_slice %arg3[%add3A, %dma_wait3A_142, %dma_wait3A_143] : memref<32x40x128xi32, #tpu.memory_space<hbm>> -> memref<1x40x128xi32, #tpu.memory_space<hbm>>
      %dma_wait3A_145 = tpu.memref_squeeze %dma_wait3A_144 : memref<1x40x128xi32, #tpu.memory_space<hbm>> -> memref<40x128xi32, #tpu.memory_space<hbm>>
      tpu.wait_dma2 semaphore(%run_scoped3A_129 : memref<!tpu.dma_semaphore, #tpu.memory_space<semaphore_mem>>) src(%dma_wait3A_145 : memref<40x128xi32, #tpu.memory_space<hbm>>) dst(%arg9 : memref<40x128xi32, #tpu.memory_space<vmem>>)
      tpu.yield
    }) : () -> ()
    %barrier3A = arith.constant 0 : index
    tpu.barrier barrier_id(%barrier3A)
    %mul3A_3 = arith.constant 5120 : i32
    %mul3A_4 = arith.muli %add3A, %mul3A_3 : i32
    %run_scoped3A = arith.constant 0 : i32
    %run_scoped3A_5 = arith.constant 0 : i32
    "tpu.region"() ({
      %run_scoped3A_129 = tpu.sem_alloc : memref<!tpu.dma_semaphore, #tpu.memory_space<semaphore_mem>>
      %dma_start3A_130 = arith.constant 0 : i32
      %dma_start3A_131 = tpu.memref_slice %arg11[%run_scoped3A_5, %dma_start3A_130] : memref<4x5120xf32, #tpu.memory_space<vmem>> -> memref<1x5120xf32, #tpu.memory_space<vmem>>
      %dma_start3A_132 = tpu.memref_squeeze %dma_start3A_131 : memref<1x5120xf32, #tpu.memory_space<vmem>> -> memref<5120xf32, #tpu.memory_space<vmem>>
      %dma_start3A_133 = tpu.memref_slice %arg4[%run_scoped3A, %mul3A_4] : memref<4x163840xf32, #tpu.memory_space<hbm>> -> memref<1x5120xf32, #tpu.memory_space<hbm>>
      %dma_start3A_134 = tpu.memref_squeeze %dma_start3A_133 : memref<1x5120xf32, #tpu.memory_space<hbm>> -> memref<5120xf32, #tpu.memory_space<hbm>>
      %dma_start3A_135 = arith.constant 0 : i32
      %dma_start3A_136 = tpu.memref_slice %arg11[%run_scoped3A_5, %dma_start3A_135] : memref<4x5120xf32, #tpu.memory_space<vmem>> -> memref<1x5120xf32, #tpu.memory_space<vmem>>
      %dma_start3A_137 = tpu.memref_squeeze %dma_start3A_136 : memref<1x5120xf32, #tpu.memory_space<vmem>> -> memref<5120xf32, #tpu.memory_space<vmem>>
      %dma_start3A_138 = tpu.memref_slice %arg4[%run_scoped3A, %mul3A_4] : memref<4x163840xf32, #tpu.memory_space<hbm>> -> memref<1x5120xf32, #tpu.memory_space<hbm>>
      %dma_start3A_139 = tpu.memref_squeeze %dma_start3A_138 : memref<1x5120xf32, #tpu.memory_space<hbm>> -> memref<5120xf32, #tpu.memory_space<hbm>>
      tpu.enqueue_dma source(%dma_start3A_139 : memref<5120xf32, #tpu.memory_space<hbm>>) target(%dma_start3A_137 : memref<5120xf32, #tpu.memory_space<vmem>>) target_semaphore(%run_scoped3A_129 : memref<!tpu.dma_semaphore, #tpu.memory_space<semaphore_mem>>)
      %dma_wait3A_140 = arith.constant 0 : i32
      %dma_wait3A_141 = tpu.memref_slice %arg11[%run_scoped3A_5, %dma_wait3A_140] : memref<4x5120xf32, #tpu.memory_space<vmem>> -> memref<1x5120xf32, #tpu.memory_space<vmem>>
      %dma_wait3A_142 = tpu.memref_squeeze %dma_wait3A_141 : memref<1x5120xf32, #tpu.memory_space<vmem>> -> memref<5120xf32, #tpu.memory_space<vmem>>
      %dma_wait3A_143 = tpu.memref_slice %arg4[%run_scoped3A, %mul3A_4] : memref<4x163840xf32, #tpu.memory_space<hbm>> -> memref<1x5120xf32, #tpu.memory_space<hbm>>
      %dma_wait3A_144 = tpu.memref_squeeze %dma_wait3A_143 : memref<1x5120xf32, #tpu.memory_space<hbm>> -> memref<5120xf32, #tpu.memory_space<hbm>>
      %dma_wait3A_145 = arith.constant 0 : i32
      %dma_wait3A_146 = tpu.memref_slice %arg11[%run_scoped3A_5, %dma_wait3A_145] : memref<4x5120xf32, #tpu.memory_space<vmem>> -> memref<1x5120xf32, #tpu.memory_space<vmem>>
      %dma_wait3A_147 = tpu.memref_squeeze %dma_wait3A_146 : memref<1x5120xf32, #tpu.memory_space<vmem>> -> memref<5120xf32, #tpu.memory_space<vmem>>
      %dma_wait3A_148 = tpu.memref_slice %arg4[%run_scoped3A, %mul3A_4] : memref<4x163840xf32, #tpu.memory_space<hbm>> -> memref<1x5120xf32, #tpu.memory_space<hbm>>
      %dma_wait3A_149 = tpu.memref_squeeze %dma_wait3A_148 : memref<1x5120xf32, #tpu.memory_space<hbm>> -> memref<5120xf32, #tpu.memory_space<hbm>>
      tpu.wait_dma2 semaphore(%run_scoped3A_129 : memref<!tpu.dma_semaphore, #tpu.memory_space<semaphore_mem>>) src(%dma_wait3A_149 : memref<5120xf32, #tpu.memory_space<hbm>>) dst(%dma_wait3A_147 : memref<5120xf32, #tpu.memory_space<vmem>>)
      tpu.yield
    }) : () -> ()
    %run_scoped3A_6 = arith.constant 1 : i32
    %run_scoped3A_7 = arith.constant 1 : i32
    "tpu.region"() ({
      %run_scoped3A_129 = tpu.sem_alloc : memref<!tpu.dma_semaphore, #tpu.memory_space<semaphore_mem>>
      %dma_start3A_130 = arith.constant 0 : i32
      %dma_start3A_131 = tpu.memref_slice %arg11[%run_scoped3A_7, %dma_start3A_130] : memref<4x5120xf32, #tpu.memory_space<vmem>> -> memref<1x5120xf32, #tpu.memory_space<vmem>>
      %dma_start3A_132 = tpu.memref_squeeze %dma_start3A_131 : memref<1x5120xf32, #tpu.memory_space<vmem>> -> memref<5120xf32, #tpu.memory_space<vmem>>
      %dma_start3A_133 = tpu.memref_slice %arg4[%run_scoped3A_6, %mul3A_4] : memref<4x163840xf32, #tpu.memory_space<hbm>> -> memref<1x5120xf32, #tpu.memory_space<hbm>>
      %dma_start3A_134 = tpu.memref_squeeze %dma_start3A_133 : memref<1x5120xf32, #tpu.memory_space<hbm>> -> memref<5120xf32, #tpu.memory_space<hbm>>
      %dma_start3A_135 = arith.constant 0 : i32
      %dma_start3A_136 = tpu.memref_slice %arg11[%run_scoped3A_7, %dma_start3A_135] : memref<4x5120xf32, #tpu.memory_space<vmem>> -> memref<1x5120xf32, #tpu.memory_space<vmem>>
      %dma_start3A_137 = tpu.memref_squeeze %dma_start3A_136 : memref<1x5120xf32, #tpu.memory_space<vmem>> -> memref<5120xf32, #tpu.memory_space<vmem>>
      %dma_start3A_138 = tpu.memref_slice %arg4[%run_scoped3A_6, %mul3A_4] : memref<4x163840xf32, #tpu.memory_space<hbm>> -> memref<1x5120xf32, #tpu.memory_space<hbm>>
      %dma_start3A_139 = tpu.memref_squeeze %dma_start3A_138 : memref<1x5120xf32, #tpu.memory_space<hbm>> -> memref<5120xf32, #tpu.memory_space<hbm>>
      tpu.enqueue_dma source(%dma_start3A_139 : memref<5120xf32, #tpu.memory_space<hbm>>) target(%dma_start3A_137 : memref<5120xf32, #tpu.memory_space<vmem>>) target_semaphore(%run_scoped3A_129 : memref<!tpu.dma_semaphore, #tpu.memory_space<semaphore_mem>>)
      %dma_wait3A_140 = arith.constant 0 : i32
      %dma_wait3A_141 = tpu.memref_slice %arg11[%run_scoped3A_7, %dma_wait3A_140] : memref<4x5120xf32, #tpu.memory_space<vmem>> -> memref<1x5120xf32, #tpu.memory_space<vmem>>
      %dma_wait3A_142 = tpu.memref_squeeze %dma_wait3A_141 : memref<1x5120xf32, #tpu.memory_space<vmem>> -> memref<5120xf32, #tpu.memory_space<vmem>>
      %dma_wait3A_143 = tpu.memref_slice %arg4[%run_scoped3A_6, %mul3A_4] : memref<4x163840xf32, #tpu.memory_space<hbm>> -> memref<1x5120xf32, #tpu.memory_space<hbm>>
      %dma_wait3A_144 = tpu.memref_squeeze %dma_wait3A_143 : memref<1x5120xf32, #tpu.memory_space<hbm>> -> memref<5120xf32, #tpu.memory_space<hbm>>
      %dma_wait3A_145 = arith.constant 0 : i32
      %dma_wait3A_146 = tpu.memref_slice %arg11[%run_scoped3A_7, %dma_wait3A_145] : memref<4x5120xf32, #tpu.memory_space<vmem>> -> memref<1x5120xf32, #tpu.memory_space<vmem>>
      %dma_wait3A_147 = tpu.memref_squeeze %dma_wait3A_146 : memref<1x5120xf32, #tpu.memory_space<vmem>> -> memref<5120xf32, #tpu.memory_space<vmem>>
      %dma_wait3A_148 = tpu.memref_slice %arg4[%run_scoped3A_6, %mul3A_4] : memref<4x163840xf32, #tpu.memory_space<hbm>> -> memref<1x5120xf32, #tpu.memory_space<hbm>>
      %dma_wait3A_149 = tpu.memref_squeeze %dma_wait3A_148 : memref<1x5120xf32, #tpu.memory_space<hbm>> -> memref<5120xf32, #tpu.memory_space<hbm>>
      tpu.wait_dma2 semaphore(%run_scoped3A_129 : memref<!tpu.dma_semaphore, #tpu.memory_space<semaphore_mem>>) src(%dma_wait3A_149 : memref<5120xf32, #tpu.memory_space<hbm>>) dst(%dma_wait3A_147 : memref<5120xf32, #tpu.memory_space<vmem>>)
      tpu.yield
    }) : () -> ()
    %run_scoped3A_8 = arith.constant 2 : i32
    %run_scoped3A_9 = arith.constant 2 : i32
    "tpu.region"() ({
      %run_scoped3A_129 = tpu.sem_alloc : memref<!tpu.dma_semaphore, #tpu.memory_space<semaphore_mem>>
      %dma_start3A_130 = arith.constant 0 : i32
      %dma_start3A_131 = tpu.memref_slice %arg11[%run_scoped3A_9, %dma_start3A_130] : memref<4x5120xf32, #tpu.memory_space<vmem>> -> memref<1x5120xf32, #tpu.memory_space<vmem>>
      %dma_start3A_132 = tpu.memref_squeeze %dma_start3A_131 : memref<1x5120xf32, #tpu.memory_space<vmem>> -> memref<5120xf32, #tpu.memory_space<vmem>>
      %dma_start3A_133 = tpu.memref_slice %arg4[%run_scoped3A_8, %mul3A_4] : memref<4x163840xf32, #tpu.memory_space<hbm>> -> memref<1x5120xf32, #tpu.memory_space<hbm>>
      %dma_start3A_134 = tpu.memref_squeeze %dma_start3A_133 : memref<1x5120xf32, #tpu.memory_space<hbm>> -> memref<5120xf32, #tpu.memory_space<hbm>>
      %dma_start3A_135 = arith.constant 0 : i32
      %dma_start3A_136 = tpu.memref_slice %arg11[%run_scoped3A_9, %dma_start3A_135] : memref<4x5120xf32, #tpu.memory_space<vmem>> -> memref<1x5120xf32, #tpu.memory_space<vmem>>
      %dma_start3A_137 = tpu.memref_squeeze %dma_start3A_136 : memref<1x5120xf32, #tpu.memory_space<vmem>> -> memref<5120xf32, #tpu.memory_space<vmem>>
      %dma_start3A_138 = tpu.memref_slice %arg4[%run_scoped3A_8, %mul3A_4] : memref<4x163840xf32, #tpu.memory_space<hbm>> -> memref<1x5120xf32, #tpu.memory_space<hbm>>
      %dma_start3A_139 = tpu.memref_squeeze %dma_start3A_138 : memref<1x5120xf32, #tpu.memory_space<hbm>> -> memref<5120xf32, #tpu.memory_space<hbm>>
      tpu.enqueue_dma source(%dma_start3A_139 : memref<5120xf32, #tpu.memory_space<hbm>>) target(%dma_start3A_137 : memref<5120xf32, #tpu.memory_space<vmem>>) target_semaphore(%run_scoped3A_129 : memref<!tpu.dma_semaphore, #tpu.memory_space<semaphore_mem>>)
      %dma_wait3A_140 = arith.constant 0 : i32
      %dma_wait3A_141 = tpu.memref_slice %arg11[%run_scoped3A_9, %dma_wait3A_140] : memref<4x5120xf32, #tpu.memory_space<vmem>> -> memref<1x5120xf32, #tpu.memory_space<vmem>>
      %dma_wait3A_142 = tpu.memref_squeeze %dma_wait3A_141 : memref<1x5120xf32, #tpu.memory_space<vmem>> -> memref<5120xf32, #tpu.memory_space<vmem>>
      %dma_wait3A_143 = tpu.memref_slice %arg4[%run_scoped3A_8, %mul3A_4] : memref<4x163840xf32, #tpu.memory_space<hbm>> -> memref<1x5120xf32, #tpu.memory_space<hbm>>
      %dma_wait3A_144 = tpu.memref_squeeze %dma_wait3A_143 : memref<1x5120xf32, #tpu.memory_space<hbm>> -> memref<5120xf32, #tpu.memory_space<hbm>>
      %dma_wait3A_145 = arith.constant 0 : i32
      %dma_wait3A_146 = tpu.memref_slice %arg11[%run_scoped3A_9, %dma_wait3A_145] : memref<4x5120xf32, #tpu.memory_space<vmem>> -> memref<1x5120xf32, #tpu.memory_space<vmem>>
      %dma_wait3A_147 = tpu.memref_squeeze %dma_wait3A_146 : memref<1x5120xf32, #tpu.memory_space<vmem>> -> memref<5120xf32, #tpu.memory_space<vmem>>
      %dma_wait3A_148 = tpu.memref_slice %arg4[%run_scoped3A_8, %mul3A_4] : memref<4x163840xf32, #tpu.memory_space<hbm>> -> memref<1x5120xf32, #tpu.memory_space<hbm>>
      %dma_wait3A_149 = tpu.memref_squeeze %dma_wait3A_148 : memref<1x5120xf32, #tpu.memory_space<hbm>> -> memref<5120xf32, #tpu.memory_space<hbm>>
      tpu.wait_dma2 semaphore(%run_scoped3A_129 : memref<!tpu.dma_semaphore, #tpu.memory_space<semaphore_mem>>) src(%dma_wait3A_149 : memref<5120xf32, #tpu.memory_space<hbm>>) dst(%dma_wait3A_147 : memref<5120xf32, #tpu.memory_space<vmem>>)
      tpu.yield
    }) : () -> ()
    %run_scoped3A_10 = arith.constant 3 : i32
    %run_scoped3A_11 = arith.constant 3 : i32
    "tpu.region"() ({
      %run_scoped3A_129 = tpu.sem_alloc : memref<!tpu.dma_semaphore, #tpu.memory_space<semaphore_mem>>
      %dma_start3A_130 = arith.constant 0 : i32
      %dma_start3A_131 = tpu.memref_slice %arg11[%run_scoped3A_11, %dma_start3A_130] : memref<4x5120xf32, #tpu.memory_space<vmem>> -> memref<1x5120xf32, #tpu.memory_space<vmem>>
      %dma_start3A_132 = tpu.memref_squeeze %dma_start3A_131 : memref<1x5120xf32, #tpu.memory_space<vmem>> -> memref<5120xf32, #tpu.memory_space<vmem>>
      %dma_start3A_133 = tpu.memref_slice %arg4[%run_scoped3A_10, %mul3A_4] : memref<4x163840xf32, #tpu.memory_space<hbm>> -> memref<1x5120xf32, #tpu.memory_space<hbm>>
      %dma_start3A_134 = tpu.memref_squeeze %dma_start3A_133 : memref<1x5120xf32, #tpu.memory_space<hbm>> -> memref<5120xf32, #tpu.memory_space<hbm>>
      %dma_start3A_135 = arith.constant 0 : i32
      %dma_start3A_136 = tpu.memref_slice %arg11[%run_scoped3A_11, %dma_start3A_135] : memref<4x5120xf32, #tpu.memory_space<vmem>> -> memref<1x5120xf32, #tpu.memory_space<vmem>>
      %dma_start3A_137 = tpu.memref_squeeze %dma_start3A_136 : memref<1x5120xf32, #tpu.memory_space<vmem>> -> memref<5120xf32, #tpu.memory_space<vmem>>
      %dma_start3A_138 = tpu.memref_slice %arg4[%run_scoped3A_10, %mul3A_4] : memref<4x163840xf32, #tpu.memory_space<hbm>> -> memref<1x5120xf32, #tpu.memory_space<hbm>>
      %dma_start3A_139 = tpu.memref_squeeze %dma_start3A_138 : memref<1x5120xf32, #tpu.memory_space<hbm>> -> memref<5120xf32, #tpu.memory_space<hbm>>
      tpu.enqueue_dma source(%dma_start3A_139 : memref<5120xf32, #tpu.memory_space<hbm>>) target(%dma_start3A_137 : memref<5120xf32, #tpu.memory_space<vmem>>) target_semaphore(%run_scoped3A_129 : memref<!tpu.dma_semaphore, #tpu.memory_space<semaphore_mem>>)
      %dma_wait3A_140 = arith.constant 0 : i32
      %dma_wait3A_141 = tpu.memref_slice %arg11[%run_scoped3A_11, %dma_wait3A_140] : memref<4x5120xf32, #tpu.memory_space<vmem>> -> memref<1x5120xf32, #tpu.memory_space<vmem>>
      %dma_wait3A_142 = tpu.memref_squeeze %dma_wait3A_141 : memref<1x5120xf32, #tpu.memory_space<vmem>> -> memref<5120xf32, #tpu.memory_space<vmem>>
      %dma_wait3A_143 = tpu.memref_slice %arg4[%run_scoped3A_10, %mul3A_4] : memref<4x163840xf32, #tpu.memory_space<hbm>> -> memref<1x5120xf32, #tpu.memory_space<hbm>>
      %dma_wait3A_144 = tpu.memref_squeeze %dma_wait3A_143 : memref<1x5120xf32, #tpu.memory_space<hbm>> -> memref<5120xf32, #tpu.memory_space<hbm>>
      %dma_wait3A_145 = arith.constant 0 : i32
      %dma_wait3A_146 = tpu.memref_slice %arg11[%run_scoped3A_11, %dma_wait3A_145] : memref<4x5120xf32, #tpu.memory_space<vmem>> -> memref<1x5120xf32, #tpu.memory_space<vmem>>
      %dma_wait3A_147 = tpu.memref_squeeze %dma_wait3A_146 : memref<1x5120xf32, #tpu.memory_space<vmem>> -> memref<5120xf32, #tpu.memory_space<vmem>>
      %dma_wait3A_148 = tpu.memref_slice %arg4[%run_scoped3A_10, %mul3A_4] : memref<4x163840xf32, #tpu.memory_space<hbm>> -> memref<1x5120xf32, #tpu.memory_space<hbm>>
      %dma_wait3A_149 = tpu.memref_squeeze %dma_wait3A_148 : memref<1x5120xf32, #tpu.memory_space<hbm>> -> memref<5120xf32, #tpu.memory_space<hbm>>
      tpu.wait_dma2 semaphore(%run_scoped3A_129 : memref<!tpu.dma_semaphore, #tpu.memory_space<semaphore_mem>>) src(%dma_wait3A_149 : memref<5120xf32, #tpu.memory_space<hbm>>) dst(%dma_wait3A_147 : memref<5120xf32, #tpu.memory_space<vmem>>)
      tpu.yield
    }) : () -> ()
    "tpu.region"() ({
      %run_scoped3A_129 = tpu.sem_alloc : memref<!tpu.dma_semaphore, #tpu.memory_space<semaphore_mem>>
      %dma_start3A_130 = tpu.memref_slice %arg5[%mul3A_4] : memref<163840xf32, #tpu.memory_space<hbm>> -> memref<5120xf32, #tpu.memory_space<hbm>>
      %dma_start3A_131 = tpu.memref_slice %arg5[%mul3A_4] : memref<163840xf32, #tpu.memory_space<hbm>> -> memref<5120xf32, #tpu.memory_space<hbm>>
      tpu.enqueue_dma source(%dma_start3A_131 : memref<5120xf32, #tpu.memory_space<hbm>>) target(%arg12 : memref<5120xf32, #tpu.memory_space<vmem>>) target_semaphore(%run_scoped3A_129 : memref<!tpu.dma_semaphore, #tpu.memory_space<semaphore_mem>>)
      %dma_wait3A_132 = tpu.memref_slice %arg5[%mul3A_4] : memref<163840xf32, #tpu.memory_space<hbm>> -> memref<5120xf32, #tpu.memory_space<hbm>>
      %dma_wait3A_133 = tpu.memref_slice %arg5[%mul3A_4] : memref<163840xf32, #tpu.memory_space<hbm>> -> memref<5120xf32, #tpu.memory_space<hbm>>
      tpu.wait_dma2 semaphore(%run_scoped3A_129 : memref<!tpu.dma_semaphore, #tpu.memory_space<semaphore_mem>>) src(%dma_wait3A_133 : memref<5120xf32, #tpu.memory_space<hbm>>) dst(%arg12 : memref<5120xf32, #tpu.memory_space<vmem>>)
      tpu.yield
    }) : () -> ()
    %dma_start3A = arith.constant 0 : i32
    %dma_start3A_12 = arith.constant 0 : i32
    %dma_start3A_13 = arith.constant 0 : i32
    %dma_start3A_14 = arith.constant 0 : i32
    %dma_start3A_15 = tpu.memref_slice %arg10[%dma_start3A_12, %dma_start3A_13, %dma_start3A_14] : memref<4x128x16xf32, #tpu.memory_space<vmem>> -> memref<1x128x16xf32, #tpu.memory_space<vmem>>
    %dma_start3A_16 = tpu.memref_squeeze %dma_start3A_15 : memref<1x128x16xf32, #tpu.memory_space<vmem>> -> memref<128x16xf32, #tpu.memory_space<vmem>>
    %dma_start3A_17 = arith.constant 0 : i32
    %dma_start3A_18 = tpu.memref_slice %arg9[%dma_start3A, %dma_start3A_17] : memref<40x128xi32, #tpu.memory_space<vmem>> -> memref<1x128xi32, #tpu.memory_space<vmem>>
    %dma_start3A_19 = tpu.memref_squeeze %dma_start3A_18 : memref<1x128xi32, #tpu.memory_space<vmem>> -> memref<128xi32, #tpu.memory_space<vmem>>
    %dma_start3A_20 = arith.constant 0 : i32
    %dma_start3A_21 = arith.constant 0 : i32
    %dma_start3A_22 = tpu.memref_slice %arg8[%dma_start3A_20, %dma_start3A_21] : memref<10000x16xf32, #tpu.memory_space<vmem_shared>> -> memref<10000x16xf32, #tpu.memory_space<vmem_shared>>
    tpu.enqueue_indirect_dma source(%dma_start3A_22 : memref<10000x16xf32, #tpu.memory_space<vmem_shared>>) target(%dma_start3A_16 : memref<128x16xf32, #tpu.memory_space<vmem>>) offsets(%dma_start3A_19 : memref<128xi32, #tpu.memory_space<vmem>>) semaphore(%arg14 : memref<!tpu.dma_semaphore, #tpu.memory_space<semaphore_mem>>)
    %dma_start3A_23 = arith.constant 1 : i32
    %dma_start3A_24 = arith.constant 1 : i32
    %dma_start3A_25 = arith.constant 0 : i32
    %dma_start3A_26 = arith.constant 0 : i32
    %dma_start3A_27 = tpu.memref_slice %arg10[%dma_start3A_24, %dma_start3A_25, %dma_start3A_26] : memref<4x128x16xf32, #tpu.memory_space<vmem>> -> memref<1x128x16xf32, #tpu.memory_space<vmem>>
    %dma_start3A_28 = tpu.memref_squeeze %dma_start3A_27 : memref<1x128x16xf32, #tpu.memory_space<vmem>> -> memref<128x16xf32, #tpu.memory_space<vmem>>
    %dma_start3A_29 = arith.constant 0 : i32
    %dma_start3A_30 = tpu.memref_slice %arg9[%dma_start3A_23, %dma_start3A_29] : memref<40x128xi32, #tpu.memory_space<vmem>> -> memref<1x128xi32, #tpu.memory_space<vmem>>
    %dma_start3A_31 = tpu.memref_squeeze %dma_start3A_30 : memref<1x128xi32, #tpu.memory_space<vmem>> -> memref<128xi32, #tpu.memory_space<vmem>>
    %dma_start3A_32 = arith.constant 0 : i32
    %dma_start3A_33 = arith.constant 0 : i32
    %dma_start3A_34 = tpu.memref_slice %arg8[%dma_start3A_32, %dma_start3A_33] : memref<10000x16xf32, #tpu.memory_space<vmem_shared>> -> memref<10000x16xf32, #tpu.memory_space<vmem_shared>>
    tpu.enqueue_indirect_dma source(%dma_start3A_34 : memref<10000x16xf32, #tpu.memory_space<vmem_shared>>) target(%dma_start3A_28 : memref<128x16xf32, #tpu.memory_space<vmem>>) offsets(%dma_start3A_31 : memref<128xi32, #tpu.memory_space<vmem>>) semaphore(%arg15 : memref<!tpu.dma_semaphore, #tpu.memory_space<semaphore_mem>>)
    %dma_start3A_35 = arith.constant 2 : i32
    %dma_start3A_36 = arith.constant 2 : i32
    %dma_start3A_37 = arith.constant 0 : i32
    %dma_start3A_38 = arith.constant 0 : i32
    %dma_start3A_39 = tpu.memref_slice %arg10[%dma_start3A_36, %dma_start3A_37, %dma_start3A_38] : memref<4x128x16xf32, #tpu.memory_space<vmem>> -> memref<1x128x16xf32, #tpu.memory_space<vmem>>
    %dma_start3A_40 = tpu.memref_squeeze %dma_start3A_39 : memref<1x128x16xf32, #tpu.memory_space<vmem>> -> memref<128x16xf32, #tpu.memory_space<vmem>>
    %dma_start3A_41 = arith.constant 0 : i32
    %dma_start3A_42 = tpu.memref_slice %arg9[%dma_start3A_35, %dma_start3A_41] : memref<40x128xi32, #tpu.memory_space<vmem>> -> memref<1x128xi32, #tpu.memory_space<vmem>>
    %dma_start3A_43 = tpu.memref_squeeze %dma_start3A_42 : memref<1x128xi32, #tpu.memory_space<vmem>> -> memref<128xi32, #tpu.memory_space<vmem>>
    %dma_start3A_44 = arith.constant 0 : i32
    %dma_start3A_45 = arith.constant 0 : i32
    %dma_start3A_46 = tpu.memref_slice %arg8[%dma_start3A_44, %dma_start3A_45] : memref<10000x16xf32, #tpu.memory_space<vmem_shared>> -> memref<10000x16xf32, #tpu.memory_space<vmem_shared>>
    tpu.enqueue_indirect_dma source(%dma_start3A_46 : memref<10000x16xf32, #tpu.memory_space<vmem_shared>>) target(%dma_start3A_40 : memref<128x16xf32, #tpu.memory_space<vmem>>) offsets(%dma_start3A_43 : memref<128xi32, #tpu.memory_space<vmem>>) semaphore(%arg16 : memref<!tpu.dma_semaphore, #tpu.memory_space<semaphore_mem>>)
    %dma_start3A_47 = arith.constant 3 : i32
    %dma_start3A_48 = arith.constant 3 : i32
    %dma_start3A_49 = arith.constant 0 : i32
    %dma_start3A_50 = arith.constant 0 : i32
    %dma_start3A_51 = tpu.memref_slice %arg10[%dma_start3A_48, %dma_start3A_49, %dma_start3A_50] : memref<4x128x16xf32, #tpu.memory_space<vmem>> -> memref<1x128x16xf32, #tpu.memory_space<vmem>>
    %dma_start3A_52 = tpu.memref_squeeze %dma_start3A_51 : memref<1x128x16xf32, #tpu.memory_space<vmem>> -> memref<128x16xf32, #tpu.memory_space<vmem>>
    %dma_start3A_53 = arith.constant 0 : i32
    %dma_start3A_54 = tpu.memref_slice %arg9[%dma_start3A_47, %dma_start3A_53] : memref<40x128xi32, #tpu.memory_space<vmem>> -> memref<1x128xi32, #tpu.memory_space<vmem>>
    %dma_start3A_55 = tpu.memref_squeeze %dma_start3A_54 : memref<1x128xi32, #tpu.memory_space<vmem>> -> memref<128xi32, #tpu.memory_space<vmem>>
    %dma_start3A_56 = arith.constant 0 : i32
    %dma_start3A_57 = arith.constant 0 : i32
    %dma_start3A_58 = tpu.memref_slice %arg8[%dma_start3A_56, %dma_start3A_57] : memref<10000x16xf32, #tpu.memory_space<vmem_shared>> -> memref<10000x16xf32, #tpu.memory_space<vmem_shared>>
    tpu.enqueue_indirect_dma source(%dma_start3A_58 : memref<10000x16xf32, #tpu.memory_space<vmem_shared>>) target(%dma_start3A_52 : memref<128x16xf32, #tpu.memory_space<vmem>>) offsets(%dma_start3A_55 : memref<128xi32, #tpu.memory_space<vmem>>) semaphore(%arg17 : memref<!tpu.dma_semaphore, #tpu.memory_space<semaphore_mem>>)
    %scan3A = arith.constant 0 : i32
    %scan3A_59 = arith.constant 0 : i32
    %scan3A_60 = arith.constant 10 : i32
    %scan3A_61 = arith.addi %scan3A_59, %scan3A_60 : i32
    %scan3A_62 = arith.constant 1 : i32
    scf.for %scan3A_129 = %scan3A_59 to %scan3A_61 step %scan3A_62  : i32 {
      %mul3A_130 = arith.constant 4 : i32
      %mul3A_131 = arith.muli %scan3A_129, %mul3A_130 : i32
      %add3A_132 = arith.constant 0 : i32
      %add3A_133 = arith.addi %mul3A_131, %add3A_132 : i32
      %dma_wait3A_134 = arith.constant 0 : i32
      %dma_wait3A_135 = arith.constant 0 : i32
      %dma_wait3A_136 = arith.constant 0 : i32
      %dma_wait3A_137 = tpu.memref_slice %arg10[%dma_wait3A_134, %dma_wait3A_135, %dma_wait3A_136] : memref<4x128x16xf32, #tpu.memory_space<vmem>> -> memref<1x128x16xf32, #tpu.memory_space<vmem>>
      %dma_wait3A_138 = tpu.memref_squeeze %dma_wait3A_137 : memref<1x128x16xf32, #tpu.memory_space<vmem>> -> memref<128x16xf32, #tpu.memory_space<vmem>>
      %dma_wait3A_139 = arith.constant 0 : i32
      %dma_wait3A_140 = tpu.memref_slice %arg9[%add3A_133, %dma_wait3A_139] : memref<40x128xi32, #tpu.memory_space<vmem>> -> memref<1x128xi32, #tpu.memory_space<vmem>>
      %dma_wait3A_141 = tpu.memref_squeeze %dma_wait3A_140 : memref<1x128xi32, #tpu.memory_space<vmem>> -> memref<128xi32, #tpu.memory_space<vmem>>
      %dma_wait3A_142 = arith.constant 0 : i32
      %dma_wait3A_143 = arith.constant 0 : i32
      %dma_wait3A_144 = tpu.memref_slice %arg8[%dma_wait3A_142, %dma_wait3A_143] : memref<10000x16xf32, #tpu.memory_space<vmem_shared>> -> memref<10000x16xf32, #tpu.memory_space<vmem_shared>>
      tpu.wait_indirect_dma semaphore(%arg14 : memref<!tpu.dma_semaphore, #tpu.memory_space<semaphore_mem>>) src(%dma_wait3A_144 : memref<10000x16xf32, #tpu.memory_space<vmem_shared>>) dst(%dma_wait3A_138 : memref<128x16xf32, #tpu.memory_space<vmem>>)
      %mul3A_145 = arith.constant 128 : i32
      %mul3A_146 = arith.muli %add3A_133, %mul3A_145 : i32
      %add3A_147 = arith.addi %mul3A_4, %mul3A_146 : i32
      %dma_start3A_148 = arith.constant 0 : i32
      %dma_start3A_149 = arith.constant 0 : i32
      %dma_start3A_150 = arith.constant 0 : i32
      %dma_start3A_151 = tpu.memref_slice %arg10[%dma_start3A_148, %dma_start3A_149, %dma_start3A_150] : memref<4x128x16xf32, #tpu.memory_space<vmem>> -> memref<1x128x16xf32, #tpu.memory_space<vmem>>
      %dma_start3A_152 = tpu.memref_squeeze %dma_start3A_151 : memref<1x128x16xf32, #tpu.memory_space<vmem>> -> memref<128x16xf32, #tpu.memory_space<vmem>>
      %dma_start3A_153 = arith.constant 0 : i32
      %dma_start3A_154 = tpu.memref_slice %arg6[%add3A_147, %dma_start3A_153] : memref<163840x16xf32, #tpu.memory_space<hbm>> -> memref<128x16xf32, #tpu.memory_space<hbm>>
      %dma_start3A_155 = arith.constant 0 : i32
      %dma_start3A_156 = tpu.memref_slice %arg6[%add3A_147, %dma_start3A_155] : memref<163840x16xf32, #tpu.memory_space<hbm>> -> memref<128x16xf32, #tpu.memory_space<hbm>>
      %dma_start3A_157 = arith.constant 0 : i32
      %dma_start3A_158 = arith.constant 0 : i32
      %dma_start3A_159 = tpu.memref_slice %arg10[%dma_start3A_148, %dma_start3A_157, %dma_start3A_158] : memref<4x128x16xf32, #tpu.memory_space<vmem>> -> memref<1x128x16xf32, #tpu.memory_space<vmem>>
      %dma_start3A_160 = tpu.memref_squeeze %dma_start3A_159 : memref<1x128x16xf32, #tpu.memory_space<vmem>> -> memref<128x16xf32, #tpu.memory_space<vmem>>
      tpu.enqueue_dma source(%dma_start3A_160 : memref<128x16xf32, #tpu.memory_space<vmem>>) target(%dma_start3A_156 : memref<128x16xf32, #tpu.memory_space<hbm>>) target_semaphore(%arg18 : memref<!tpu.dma_semaphore, #tpu.memory_space<semaphore_mem>>)
      %mul3A_161 = arith.constant 4 : i32
      %mul3A_162 = arith.muli %scan3A_129, %mul3A_161 : i32
      %add3A_163 = arith.constant 1 : i32
      %add3A_164 = arith.addi %mul3A_162, %add3A_163 : i32
      %dma_wait3A_165 = arith.constant 1 : i32
      %dma_wait3A_166 = arith.constant 0 : i32
      %dma_wait3A_167 = arith.constant 0 : i32
      %dma_wait3A_168 = tpu.memref_slice %arg10[%dma_wait3A_165, %dma_wait3A_166, %dma_wait3A_167] : memref<4x128x16xf32, #tpu.memory_space<vmem>> -> memref<1x128x16xf32, #tpu.memory_space<vmem>>
      %dma_wait3A_169 = tpu.memref_squeeze %dma_wait3A_168 : memref<1x128x16xf32, #tpu.memory_space<vmem>> -> memref<128x16xf32, #tpu.memory_space<vmem>>
      %dma_wait3A_170 = arith.constant 0 : i32
      %dma_wait3A_171 = tpu.memref_slice %arg9[%add3A_164, %dma_wait3A_170] : memref<40x128xi32, #tpu.memory_space<vmem>> -> memref<1x128xi32, #tpu.memory_space<vmem>>
      %dma_wait3A_172 = tpu.memref_squeeze %dma_wait3A_171 : memref<1x128xi32, #tpu.memory_space<vmem>> -> memref<128xi32, #tpu.memory_space<vmem>>
      %dma_wait3A_173 = arith.constant 0 : i32
      %dma_wait3A_174 = arith.constant 0 : i32
      %dma_wait3A_175 = tpu.memref_slice %arg8[%dma_wait3A_173, %dma_wait3A_174] : memref<10000x16xf32, #tpu.memory_space<vmem_shared>> -> memref<10000x16xf32, #tpu.memory_space<vmem_shared>>
      tpu.wait_indirect_dma semaphore(%arg15 : memref<!tpu.dma_semaphore, #tpu.memory_space<semaphore_mem>>) src(%dma_wait3A_175 : memref<10000x16xf32, #tpu.memory_space<vmem_shared>>) dst(%dma_wait3A_169 : memref<128x16xf32, #tpu.memory_space<vmem>>)
      %mul3A_176 = arith.constant 128 : i32
      %mul3A_177 = arith.muli %add3A_164, %mul3A_176 : i32
      %add3A_178 = arith.addi %mul3A_4, %mul3A_177 : i32
      %dma_start3A_179 = arith.constant 1 : i32
      %dma_start3A_180 = arith.constant 0 : i32
      %dma_start3A_181 = arith.constant 0 : i32
      %dma_start3A_182 = tpu.memref_slice %arg10[%dma_start3A_179, %dma_start3A_180, %dma_start3A_181] : memref<4x128x16xf32, #tpu.memory_space<vmem>> -> memref<1x128x16xf32, #tpu.memory_space<vmem>>
      %dma_start3A_183 = tpu.memref_squeeze %dma_start3A_182 : memref<1x128x16xf32, #tpu.memory_space<vmem>> -> memref<128x16xf32, #tpu.memory_space<vmem>>
      %dma_start3A_184 = arith.constant 0 : i32
      %dma_start3A_185 = tpu.memref_slice %arg6[%add3A_178, %dma_start3A_184] : memref<163840x16xf32, #tpu.memory_space<hbm>> -> memref<128x16xf32, #tpu.memory_space<hbm>>
      %dma_start3A_186 = arith.constant 0 : i32
      %dma_start3A_187 = tpu.memref_slice %arg6[%add3A_178, %dma_start3A_186] : memref<163840x16xf32, #tpu.memory_space<hbm>> -> memref<128x16xf32, #tpu.memory_space<hbm>>
      %dma_start3A_188 = arith.constant 0 : i32
      %dma_start3A_189 = arith.constant 0 : i32
      %dma_start3A_190 = tpu.memref_slice %arg10[%dma_start3A_179, %dma_start3A_188, %dma_start3A_189] : memref<4x128x16xf32, #tpu.memory_space<vmem>> -> memref<1x128x16xf32, #tpu.memory_space<vmem>>
      %dma_start3A_191 = tpu.memref_squeeze %dma_start3A_190 : memref<1x128x16xf32, #tpu.memory_space<vmem>> -> memref<128x16xf32, #tpu.memory_space<vmem>>
      tpu.enqueue_dma source(%dma_start3A_191 : memref<128x16xf32, #tpu.memory_space<vmem>>) target(%dma_start3A_187 : memref<128x16xf32, #tpu.memory_space<hbm>>) target_semaphore(%arg19 : memref<!tpu.dma_semaphore, #tpu.memory_space<semaphore_mem>>)
      %mul3A_192 = arith.constant 4 : i32
      %mul3A_193 = arith.muli %scan3A_129, %mul3A_192 : i32
      %add3A_194 = arith.constant 2 : i32
      %add3A_195 = arith.addi %mul3A_193, %add3A_194 : i32
      %dma_wait3A_196 = arith.constant 2 : i32
      %dma_wait3A_197 = arith.constant 0 : i32
      %dma_wait3A_198 = arith.constant 0 : i32
      %dma_wait3A_199 = tpu.memref_slice %arg10[%dma_wait3A_196, %dma_wait3A_197, %dma_wait3A_198] : memref<4x128x16xf32, #tpu.memory_space<vmem>> -> memref<1x128x16xf32, #tpu.memory_space<vmem>>
      %dma_wait3A_200 = tpu.memref_squeeze %dma_wait3A_199 : memref<1x128x16xf32, #tpu.memory_space<vmem>> -> memref<128x16xf32, #tpu.memory_space<vmem>>
      %dma_wait3A_201 = arith.constant 0 : i32
      %dma_wait3A_202 = tpu.memref_slice %arg9[%add3A_195, %dma_wait3A_201] : memref<40x128xi32, #tpu.memory_space<vmem>> -> memref<1x128xi32, #tpu.memory_space<vmem>>
      %dma_wait3A_203 = tpu.memref_squeeze %dma_wait3A_202 : memref<1x128xi32, #tpu.memory_space<vmem>> -> memref<128xi32, #tpu.memory_space<vmem>>
      %dma_wait3A_204 = arith.constant 0 : i32
      %dma_wait3A_205 = arith.constant 0 : i32
      %dma_wait3A_206 = tpu.memref_slice %arg8[%dma_wait3A_204, %dma_wait3A_205] : memref<10000x16xf32, #tpu.memory_space<vmem_shared>> -> memref<10000x16xf32, #tpu.memory_space<vmem_shared>>
      tpu.wait_indirect_dma semaphore(%arg16 : memref<!tpu.dma_semaphore, #tpu.memory_space<semaphore_mem>>) src(%dma_wait3A_206 : memref<10000x16xf32, #tpu.memory_space<vmem_shared>>) dst(%dma_wait3A_200 : memref<128x16xf32, #tpu.memory_space<vmem>>)
      %mul3A_207 = arith.constant 128 : i32
      %mul3A_208 = arith.muli %add3A_195, %mul3A_207 : i32
      %add3A_209 = arith.addi %mul3A_4, %mul3A_208 : i32
      %dma_start3A_210 = arith.constant 2 : i32
      %dma_start3A_211 = arith.constant 0 : i32
      %dma_start3A_212 = arith.constant 0 : i32
      %dma_start3A_213 = tpu.memref_slice %arg10[%dma_start3A_210, %dma_start3A_211, %dma_start3A_212] : memref<4x128x16xf32, #tpu.memory_space<vmem>> -> memref<1x128x16xf32, #tpu.memory_space<vmem>>
      %dma_start3A_214 = tpu.memref_squeeze %dma_start3A_213 : memref<1x128x16xf32, #tpu.memory_space<vmem>> -> memref<128x16xf32, #tpu.memory_space<vmem>>
      %dma_start3A_215 = arith.constant 0 : i32
      %dma_start3A_216 = tpu.memref_slice %arg6[%add3A_209, %dma_start3A_215] : memref<163840x16xf32, #tpu.memory_space<hbm>> -> memref<128x16xf32, #tpu.memory_space<hbm>>
      %dma_start3A_217 = arith.constant 0 : i32
      %dma_start3A_218 = tpu.memref_slice %arg6[%add3A_209, %dma_start3A_217] : memref<163840x16xf32, #tpu.memory_space<hbm>> -> memref<128x16xf32, #tpu.memory_space<hbm>>
      %dma_start3A_219 = arith.constant 0 : i32
      %dma_start3A_220 = arith.constant 0 : i32
      %dma_start3A_221 = tpu.memref_slice %arg10[%dma_start3A_210, %dma_start3A_219, %dma_start3A_220] : memref<4x128x16xf32, #tpu.memory_space<vmem>> -> memref<1x128x16xf32, #tpu.memory_space<vmem>>
      %dma_start3A_222 = tpu.memref_squeeze %dma_start3A_221 : memref<1x128x16xf32, #tpu.memory_space<vmem>> -> memref<128x16xf32, #tpu.memory_space<vmem>>
      tpu.enqueue_dma source(%dma_start3A_222 : memref<128x16xf32, #tpu.memory_space<vmem>>) target(%dma_start3A_218 : memref<128x16xf32, #tpu.memory_space<hbm>>) target_semaphore(%arg20 : memref<!tpu.dma_semaphore, #tpu.memory_space<semaphore_mem>>)
      %mul3A_223 = arith.constant 4 : i32
      %mul3A_224 = arith.muli %scan3A_129, %mul3A_223 : i32
      %add3A_225 = arith.constant 3 : i32
      %add3A_226 = arith.addi %mul3A_224, %add3A_225 : i32
      %dma_wait3A_227 = arith.constant 3 : i32
      %dma_wait3A_228 = arith.constant 0 : i32
      %dma_wait3A_229 = arith.constant 0 : i32
      %dma_wait3A_230 = tpu.memref_slice %arg10[%dma_wait3A_227, %dma_wait3A_228, %dma_wait3A_229] : memref<4x128x16xf32, #tpu.memory_space<vmem>> -> memref<1x128x16xf32, #tpu.memory_space<vmem>>
      %dma_wait3A_231 = tpu.memref_squeeze %dma_wait3A_230 : memref<1x128x16xf32, #tpu.memory_space<vmem>> -> memref<128x16xf32, #tpu.memory_space<vmem>>
      %dma_wait3A_232 = arith.constant 0 : i32
      %dma_wait3A_233 = tpu.memref_slice %arg9[%add3A_226, %dma_wait3A_232] : memref<40x128xi32, #tpu.memory_space<vmem>> -> memref<1x128xi32, #tpu.memory_space<vmem>>
      %dma_wait3A_234 = tpu.memref_squeeze %dma_wait3A_233 : memref<1x128xi32, #tpu.memory_space<vmem>> -> memref<128xi32, #tpu.memory_space<vmem>>
      %dma_wait3A_235 = arith.constant 0 : i32
      %dma_wait3A_236 = arith.constant 0 : i32
      %dma_wait3A_237 = tpu.memref_slice %arg8[%dma_wait3A_235, %dma_wait3A_236] : memref<10000x16xf32, #tpu.memory_space<vmem_shared>> -> memref<10000x16xf32, #tpu.memory_space<vmem_shared>>
      tpu.wait_indirect_dma semaphore(%arg17 : memref<!tpu.dma_semaphore, #tpu.memory_space<semaphore_mem>>) src(%dma_wait3A_237 : memref<10000x16xf32, #tpu.memory_space<vmem_shared>>) dst(%dma_wait3A_231 : memref<128x16xf32, #tpu.memory_space<vmem>>)
      %mul3A_238 = arith.constant 128 : i32
      %mul3A_239 = arith.muli %add3A_226, %mul3A_238 : i32
      %add3A_240 = arith.addi %mul3A_4, %mul3A_239 : i32
      %dma_start3A_241 = arith.constant 3 : i32
      %dma_start3A_242 = arith.constant 0 : i32
      %dma_start3A_243 = arith.constant 0 : i32
      %dma_start3A_244 = tpu.memref_slice %arg10[%dma_start3A_241, %dma_start3A_242, %dma_start3A_243] : memref<4x128x16xf32, #tpu.memory_space<vmem>> -> memref<1x128x16xf32, #tpu.memory_space<vmem>>
      %dma_start3A_245 = tpu.memref_squeeze %dma_start3A_244 : memref<1x128x16xf32, #tpu.memory_space<vmem>> -> memref<128x16xf32, #tpu.memory_space<vmem>>
      %dma_start3A_246 = arith.constant 0 : i32
      %dma_start3A_247 = tpu.memref_slice %arg6[%add3A_240, %dma_start3A_246] : memref<163840x16xf32, #tpu.memory_space<hbm>> -> memref<128x16xf32, #tpu.memory_space<hbm>>
      %dma_start3A_248 = arith.constant 0 : i32
      %dma_start3A_249 = tpu.memref_slice %arg6[%add3A_240, %dma_start3A_248] : memref<163840x16xf32, #tpu.memory_space<hbm>> -> memref<128x16xf32, #tpu.memory_space<hbm>>
      %dma_start3A_250 = arith.constant 0 : i32
      %dma_start3A_251 = arith.constant 0 : i32
      %dma_start3A_252 = tpu.memref_slice %arg10[%dma_start3A_241, %dma_start3A_250, %dma_start3A_251] : memref<4x128x16xf32, #tpu.memory_space<vmem>> -> memref<1x128x16xf32, #tpu.memory_space<vmem>>
      %dma_start3A_253 = tpu.memref_squeeze %dma_start3A_252 : memref<1x128x16xf32, #tpu.memory_space<vmem>> -> memref<128x16xf32, #tpu.memory_space<vmem>>
      tpu.enqueue_dma source(%dma_start3A_253 : memref<128x16xf32, #tpu.memory_space<vmem>>) target(%dma_start3A_249 : memref<128x16xf32, #tpu.memory_space<hbm>>) target_semaphore(%arg21 : memref<!tpu.dma_semaphore, #tpu.memory_space<semaphore_mem>>)
      %mul3A_254 = arith.constant 4 : i32
      %mul3A_255 = arith.muli %scan3A_129, %mul3A_254 : i32
      %add3A_256 = arith.constant 0 : i32
      %add3A_257 = arith.addi %mul3A_255, %add3A_256 : i32
      %add3A_258 = arith.constant 4 : i32
      %add3A_259 = arith.addi %add3A_257, %add3A_258 : i32
      %lt3A = arith.constant 40 : i32
      %lt3A_260 = arith.cmpi slt, %add3A_259, %lt3A : i32
      %convert_element_type3A_261 = arith.extui %lt3A_260 : i1 to i32
      %cond3A_262 = arith.constant 0 : i32
      %cond3A_263 = arith.cmpi ne, %convert_element_type3A_261, %cond3A_262 : i32
      scf.if %cond3A_263 {
        %dma_wait3A_297 = arith.constant 0 : i32
        %dma_wait3A_298 = arith.constant 0 : i32
        %dma_wait3A_299 = arith.constant 0 : i32
        %dma_wait3A_300 = tpu.memref_slice %arg10[%dma_wait3A_297, %dma_wait3A_298, %dma_wait3A_299] : memref<4x128x16xf32, #tpu.memory_space<vmem>> -> memref<1x128x16xf32, #tpu.memory_space<vmem>>
        %dma_wait3A_301 = tpu.memref_squeeze %dma_wait3A_300 : memref<1x128x16xf32, #tpu.memory_space<vmem>> -> memref<128x16xf32, #tpu.memory_space<vmem>>
        %dma_wait3A_302 = arith.constant 0 : i32
        %dma_wait3A_303 = tpu.memref_slice %arg6[%mul3A_4, %dma_wait3A_302] : memref<163840x16xf32, #tpu.memory_space<hbm>> -> memref<128x16xf32, #tpu.memory_space<hbm>>
        %dma_wait3A_304 = arith.constant 0 : i32
        %dma_wait3A_305 = tpu.memref_slice %arg6[%mul3A_4, %dma_wait3A_304] : memref<163840x16xf32, #tpu.memory_space<hbm>> -> memref<128x16xf32, #tpu.memory_space<hbm>>
        %dma_wait3A_306 = arith.constant 0 : i32
        %dma_wait3A_307 = arith.constant 0 : i32
        %dma_wait3A_308 = tpu.memref_slice %arg10[%dma_wait3A_297, %dma_wait3A_306, %dma_wait3A_307] : memref<4x128x16xf32, #tpu.memory_space<vmem>> -> memref<1x128x16xf32, #tpu.memory_space<vmem>>
        %dma_wait3A_309 = tpu.memref_squeeze %dma_wait3A_308 : memref<1x128x16xf32, #tpu.memory_space<vmem>> -> memref<128x16xf32, #tpu.memory_space<vmem>>
        tpu.wait_dma2 semaphore(%arg18 : memref<!tpu.dma_semaphore, #tpu.memory_space<semaphore_mem>>) src(%dma_wait3A_309 : memref<128x16xf32, #tpu.memory_space<vmem>>) dst(%dma_wait3A_305 : memref<128x16xf32, #tpu.memory_space<hbm>>)
        %dma_start3A_310 = arith.constant 0 : i32
        %dma_start3A_311 = arith.constant 0 : i32
        %dma_start3A_312 = arith.constant 0 : i32
        %dma_start3A_313 = tpu.memref_slice %arg10[%dma_start3A_310, %dma_start3A_311, %dma_start3A_312] : memref<4x128x16xf32, #tpu.memory_space<vmem>> -> memref<1x128x16xf32, #tpu.memory_space<vmem>>
        %dma_start3A_314 = tpu.memref_squeeze %dma_start3A_313 : memref<1x128x16xf32, #tpu.memory_space<vmem>> -> memref<128x16xf32, #tpu.memory_space<vmem>>
        %dma_start3A_315 = arith.constant 0 : i32
        %dma_start3A_316 = tpu.memref_slice %arg9[%add3A_259, %dma_start3A_315] : memref<40x128xi32, #tpu.memory_space<vmem>> -> memref<1x128xi32, #tpu.memory_space<vmem>>
        %dma_start3A_317 = tpu.memref_squeeze %dma_start3A_316 : memref<1x128xi32, #tpu.memory_space<vmem>> -> memref<128xi32, #tpu.memory_space<vmem>>
        %dma_start3A_318 = arith.constant 0 : i32
        %dma_start3A_319 = arith.constant 0 : i32
        %dma_start3A_320 = tpu.memref_slice %arg8[%dma_start3A_318, %dma_start3A_319] : memref<10000x16xf32, #tpu.memory_space<vmem_shared>> -> memref<10000x16xf32, #tpu.memory_space<vmem_shared>>
        tpu.enqueue_indirect_dma source(%dma_start3A_320 : memref<10000x16xf32, #tpu.memory_space<vmem_shared>>) target(%dma_start3A_314 : memref<128x16xf32, #tpu.memory_space<vmem>>) offsets(%dma_start3A_317 : memref<128xi32, #tpu.memory_space<vmem>>) semaphore(%arg14 : memref<!tpu.dma_semaphore, #tpu.memory_space<semaphore_mem>>)
      } else {
      }
      %mul3A_264 = arith.constant 4 : i32
      %mul3A_265 = arith.muli %scan3A_129, %mul3A_264 : i32
      %add3A_266 = arith.constant 1 : i32
      %add3A_267 = arith.addi %mul3A_265, %add3A_266 : i32
      %add3A_268 = arith.constant 4 : i32
      %add3A_269 = arith.addi %add3A_267, %add3A_268 : i32
      %lt3A_270 = arith.constant 40 : i32
      %lt3A_271 = arith.cmpi slt, %add3A_269, %lt3A_270 : i32
      %convert_element_type3A_272 = arith.extui %lt3A_271 : i1 to i32
      %cond3A_273 = arith.constant 0 : i32
      %cond3A_274 = arith.cmpi ne, %convert_element_type3A_272, %cond3A_273 : i32
      scf.if %cond3A_274 {
        %dma_wait3A_297 = arith.constant 1 : i32
        %dma_wait3A_298 = arith.constant 0 : i32
        %dma_wait3A_299 = arith.constant 0 : i32
        %dma_wait3A_300 = tpu.memref_slice %arg10[%dma_wait3A_297, %dma_wait3A_298, %dma_wait3A_299] : memref<4x128x16xf32, #tpu.memory_space<vmem>> -> memref<1x128x16xf32, #tpu.memory_space<vmem>>
        %dma_wait3A_301 = tpu.memref_squeeze %dma_wait3A_300 : memref<1x128x16xf32, #tpu.memory_space<vmem>> -> memref<128x16xf32, #tpu.memory_space<vmem>>
        %dma_wait3A_302 = arith.constant 0 : i32
        %dma_wait3A_303 = tpu.memref_slice %arg6[%mul3A_4, %dma_wait3A_302] : memref<163840x16xf32, #tpu.memory_space<hbm>> -> memref<128x16xf32, #tpu.memory_space<hbm>>
        %dma_wait3A_304 = arith.constant 0 : i32
        %dma_wait3A_305 = tpu.memref_slice %arg6[%mul3A_4, %dma_wait3A_304] : memref<163840x16xf32, #tpu.memory_space<hbm>> -> memref<128x16xf32, #tpu.memory_space<hbm>>
        %dma_wait3A_306 = arith.constant 0 : i32
        %dma_wait3A_307 = arith.constant 0 : i32
        %dma_wait3A_308 = tpu.memref_slice %arg10[%dma_wait3A_297, %dma_wait3A_306, %dma_wait3A_307] : memref<4x128x16xf32, #tpu.memory_space<vmem>> -> memref<1x128x16xf32, #tpu.memory_space<vmem>>
        %dma_wait3A_309 = tpu.memref_squeeze %dma_wait3A_308 : memref<1x128x16xf32, #tpu.memory_space<vmem>> -> memref<128x16xf32, #tpu.memory_space<vmem>>
        tpu.wait_dma2 semaphore(%arg19 : memref<!tpu.dma_semaphore, #tpu.memory_space<semaphore_mem>>) src(%dma_wait3A_309 : memref<128x16xf32, #tpu.memory_space<vmem>>) dst(%dma_wait3A_305 : memref<128x16xf32, #tpu.memory_space<hbm>>)
        %dma_start3A_310 = arith.constant 1 : i32
        %dma_start3A_311 = arith.constant 0 : i32
        %dma_start3A_312 = arith.constant 0 : i32
        %dma_start3A_313 = tpu.memref_slice %arg10[%dma_start3A_310, %dma_start3A_311, %dma_start3A_312] : memref<4x128x16xf32, #tpu.memory_space<vmem>> -> memref<1x128x16xf32, #tpu.memory_space<vmem>>
        %dma_start3A_314 = tpu.memref_squeeze %dma_start3A_313 : memref<1x128x16xf32, #tpu.memory_space<vmem>> -> memref<128x16xf32, #tpu.memory_space<vmem>>
        %dma_start3A_315 = arith.constant 0 : i32
        %dma_start3A_316 = tpu.memref_slice %arg9[%add3A_269, %dma_start3A_315] : memref<40x128xi32, #tpu.memory_space<vmem>> -> memref<1x128xi32, #tpu.memory_space<vmem>>
        %dma_start3A_317 = tpu.memref_squeeze %dma_start3A_316 : memref<1x128xi32, #tpu.memory_space<vmem>> -> memref<128xi32, #tpu.memory_space<vmem>>
        %dma_start3A_318 = arith.constant 0 : i32
        %dma_start3A_319 = arith.constant 0 : i32
        %dma_start3A_320 = tpu.memref_slice %arg8[%dma_start3A_318, %dma_start3A_319] : memref<10000x16xf32, #tpu.memory_space<vmem_shared>> -> memref<10000x16xf32, #tpu.memory_space<vmem_shared>>
        tpu.enqueue_indirect_dma source(%dma_start3A_320 : memref<10000x16xf32, #tpu.memory_space<vmem_shared>>) target(%dma_start3A_314 : memref<128x16xf32, #tpu.memory_space<vmem>>) offsets(%dma_start3A_317 : memref<128xi32, #tpu.memory_space<vmem>>) semaphore(%arg15 : memref<!tpu.dma_semaphore, #tpu.memory_space<semaphore_mem>>)
      } else {
      }
      %mul3A_275 = arith.constant 4 : i32
      %mul3A_276 = arith.muli %scan3A_129, %mul3A_275 : i32
      %add3A_277 = arith.constant 2 : i32
      %add3A_278 = arith.addi %mul3A_276, %add3A_277 : i32
      %add3A_279 = arith.constant 4 : i32
      %add3A_280 = arith.addi %add3A_278, %add3A_279 : i32
      %lt3A_281 = arith.constant 40 : i32
      %lt3A_282 = arith.cmpi slt, %add3A_280, %lt3A_281 : i32
      %convert_element_type3A_283 = arith.extui %lt3A_282 : i1 to i32
      %cond3A_284 = arith.constant 0 : i32
      %cond3A_285 = arith.cmpi ne, %convert_element_type3A_283, %cond3A_284 : i32
      scf.if %cond3A_285 {
        %dma_wait3A_297 = arith.constant 2 : i32
        %dma_wait3A_298 = arith.constant 0 : i32
        %dma_wait3A_299 = arith.constant 0 : i32
        %dma_wait3A_300 = tpu.memref_slice %arg10[%dma_wait3A_297, %dma_wait3A_298, %dma_wait3A_299] : memref<4x128x16xf32, #tpu.memory_space<vmem>> -> memref<1x128x16xf32, #tpu.memory_space<vmem>>
        %dma_wait3A_301 = tpu.memref_squeeze %dma_wait3A_300 : memref<1x128x16xf32, #tpu.memory_space<vmem>> -> memref<128x16xf32, #tpu.memory_space<vmem>>
        %dma_wait3A_302 = arith.constant 0 : i32
        %dma_wait3A_303 = tpu.memref_slice %arg6[%mul3A_4, %dma_wait3A_302] : memref<163840x16xf32, #tpu.memory_space<hbm>> -> memref<128x16xf32, #tpu.memory_space<hbm>>
        %dma_wait3A_304 = arith.constant 0 : i32
        %dma_wait3A_305 = tpu.memref_slice %arg6[%mul3A_4, %dma_wait3A_304] : memref<163840x16xf32, #tpu.memory_space<hbm>> -> memref<128x16xf32, #tpu.memory_space<hbm>>
        %dma_wait3A_306 = arith.constant 0 : i32
        %dma_wait3A_307 = arith.constant 0 : i32
        %dma_wait3A_308 = tpu.memref_slice %arg10[%dma_wait3A_297, %dma_wait3A_306, %dma_wait3A_307] : memref<4x128x16xf32, #tpu.memory_space<vmem>> -> memref<1x128x16xf32, #tpu.memory_space<vmem>>
        %dma_wait3A_309 = tpu.memref_squeeze %dma_wait3A_308 : memref<1x128x16xf32, #tpu.memory_space<vmem>> -> memref<128x16xf32, #tpu.memory_space<vmem>>
        tpu.wait_dma2 semaphore(%arg20 : memref<!tpu.dma_semaphore, #tpu.memory_space<semaphore_mem>>) src(%dma_wait3A_309 : memref<128x16xf32, #tpu.memory_space<vmem>>) dst(%dma_wait3A_305 : memref<128x16xf32, #tpu.memory_space<hbm>>)
        %dma_start3A_310 = arith.constant 2 : i32
        %dma_start3A_311 = arith.constant 0 : i32
        %dma_start3A_312 = arith.constant 0 : i32
        %dma_start3A_313 = tpu.memref_slice %arg10[%dma_start3A_310, %dma_start3A_311, %dma_start3A_312] : memref<4x128x16xf32, #tpu.memory_space<vmem>> -> memref<1x128x16xf32, #tpu.memory_space<vmem>>
        %dma_start3A_314 = tpu.memref_squeeze %dma_start3A_313 : memref<1x128x16xf32, #tpu.memory_space<vmem>> -> memref<128x16xf32, #tpu.memory_space<vmem>>
        %dma_start3A_315 = arith.constant 0 : i32
        %dma_start3A_316 = tpu.memref_slice %arg9[%add3A_280, %dma_start3A_315] : memref<40x128xi32, #tpu.memory_space<vmem>> -> memref<1x128xi32, #tpu.memory_space<vmem>>
        %dma_start3A_317 = tpu.memref_squeeze %dma_start3A_316 : memref<1x128xi32, #tpu.memory_space<vmem>> -> memref<128xi32, #tpu.memory_space<vmem>>
        %dma_start3A_318 = arith.constant 0 : i32
        %dma_start3A_319 = arith.constant 0 : i32
        %dma_start3A_320 = tpu.memref_slice %arg8[%dma_start3A_318, %dma_start3A_319] : memref<10000x16xf32, #tpu.memory_space<vmem_shared>> -> memref<10000x16xf32, #tpu.memory_space<vmem_shared>>
        tpu.enqueue_indirect_dma source(%dma_start3A_320 : memref<10000x16xf32, #tpu.memory_space<vmem_shared>>) target(%dma_start3A_314 : memref<128x16xf32, #tpu.memory_space<vmem>>) offsets(%dma_start3A_317 : memref<128xi32, #tpu.memory_space<vmem>>) semaphore(%arg16 : memref<!tpu.dma_semaphore, #tpu.memory_space<semaphore_mem>>)
      } else {
      }
      %mul3A_286 = arith.constant 4 : i32
      %mul3A_287 = arith.muli %scan3A_129, %mul3A_286 : i32
      %add3A_288 = arith.constant 3 : i32
      %add3A_289 = arith.addi %mul3A_287, %add3A_288 : i32
      %add3A_290 = arith.constant 4 : i32
      %add3A_291 = arith.addi %add3A_289, %add3A_290 : i32
      %lt3A_292 = arith.constant 40 : i32
      %lt3A_293 = arith.cmpi slt, %add3A_291, %lt3A_292 : i32
      %convert_element_type3A_294 = arith.extui %lt3A_293 : i1 to i32
      %cond3A_295 = arith.constant 0 : i32
      %cond3A_296 = arith.cmpi ne, %convert_element_type3A_294, %cond3A_295 : i32
      scf.if %cond3A_296 {
        %dma_wait3A_297 = arith.constant 3 : i32
        %dma_wait3A_298 = arith.constant 0 : i32
        %dma_wait3A_299 = arith.constant 0 : i32
        %dma_wait3A_300 = tpu.memref_slice %arg10[%dma_wait3A_297, %dma_wait3A_298, %dma_wait3A_299] : memref<4x128x16xf32, #tpu.memory_space<vmem>> -> memref<1x128x16xf32, #tpu.memory_space<vmem>>
        %dma_wait3A_301 = tpu.memref_squeeze %dma_wait3A_300 : memref<1x128x16xf32, #tpu.memory_space<vmem>> -> memref<128x16xf32, #tpu.memory_space<vmem>>
        %dma_wait3A_302 = arith.constant 0 : i32
        %dma_wait3A_303 = tpu.memref_slice %arg6[%mul3A_4, %dma_wait3A_302] : memref<163840x16xf32, #tpu.memory_space<hbm>> -> memref<128x16xf32, #tpu.memory_space<hbm>>
        %dma_wait3A_304 = arith.constant 0 : i32
        %dma_wait3A_305 = tpu.memref_slice %arg6[%mul3A_4, %dma_wait3A_304] : memref<163840x16xf32, #tpu.memory_space<hbm>> -> memref<128x16xf32, #tpu.memory_space<hbm>>
        %dma_wait3A_306 = arith.constant 0 : i32
        %dma_wait3A_307 = arith.constant 0 : i32
        %dma_wait3A_308 = tpu.memref_slice %arg10[%dma_wait3A_297, %dma_wait3A_306, %dma_wait3A_307] : memref<4x128x16xf32, #tpu.memory_space<vmem>> -> memref<1x128x16xf32, #tpu.memory_space<vmem>>
        %dma_wait3A_309 = tpu.memref_squeeze %dma_wait3A_308 : memref<1x128x16xf32, #tpu.memory_space<vmem>> -> memref<128x16xf32, #tpu.memory_space<vmem>>
        tpu.wait_dma2 semaphore(%arg21 : memref<!tpu.dma_semaphore, #tpu.memory_space<semaphore_mem>>) src(%dma_wait3A_309 : memref<128x16xf32, #tpu.memory_space<vmem>>) dst(%dma_wait3A_305 : memref<128x16xf32, #tpu.memory_space<hbm>>)
        %dma_start3A_310 = arith.constant 3 : i32
        %dma_start3A_311 = arith.constant 0 : i32
        %dma_start3A_312 = arith.constant 0 : i32
        %dma_start3A_313 = tpu.memref_slice %arg10[%dma_start3A_310, %dma_start3A_311, %dma_start3A_312] : memref<4x128x16xf32, #tpu.memory_space<vmem>> -> memref<1x128x16xf32, #tpu.memory_space<vmem>>
        %dma_start3A_314 = tpu.memref_squeeze %dma_start3A_313 : memref<1x128x16xf32, #tpu.memory_space<vmem>> -> memref<128x16xf32, #tpu.memory_space<vmem>>
        %dma_start3A_315 = arith.constant 0 : i32
        %dma_start3A_316 = tpu.memref_slice %arg9[%add3A_291, %dma_start3A_315] : memref<40x128xi32, #tpu.memory_space<vmem>> -> memref<1x128xi32, #tpu.memory_space<vmem>>
        %dma_start3A_317 = tpu.memref_squeeze %dma_start3A_316 : memref<1x128xi32, #tpu.memory_space<vmem>> -> memref<128xi32, #tpu.memory_space<vmem>>
        %dma_start3A_318 = arith.constant 0 : i32
        %dma_start3A_319 = arith.constant 0 : i32
        %dma_start3A_320 = tpu.memref_slice %arg8[%dma_start3A_318, %dma_start3A_319] : memref<10000x16xf32, #tpu.memory_space<vmem_shared>> -> memref<10000x16xf32, #tpu.memory_space<vmem_shared>>
        tpu.enqueue_indirect_dma source(%dma_start3A_320 : memref<10000x16xf32, #tpu.memory_space<vmem_shared>>) target(%dma_start3A_314 : memref<128x16xf32, #tpu.memory_space<vmem>>) offsets(%dma_start3A_317 : memref<128xi32, #tpu.memory_space<vmem>>) semaphore(%arg17 : memref<!tpu.dma_semaphore, #tpu.memory_space<semaphore_mem>>)
      } else {
      }
    }
    %scan3A_63 = arith.constant 10 : i32
    %dma_wait3A = arith.constant 0 : i32
    %dma_wait3A_64 = arith.constant 0 : i32
    %dma_wait3A_65 = arith.constant 0 : i32
    %dma_wait3A_66 = tpu.memref_slice %arg10[%dma_wait3A, %dma_wait3A_64, %dma_wait3A_65] : memref<4x128x16xf32, #tpu.memory_space<vmem>> -> memref<1x128x16xf32, #tpu.memory_space<vmem>>
    %dma_wait3A_67 = tpu.memref_squeeze %dma_wait3A_66 : memref<1x128x16xf32, #tpu.memory_space<vmem>> -> memref<128x16xf32, #tpu.memory_space<vmem>>
    %dma_wait3A_68 = arith.constant 0 : i32
    %dma_wait3A_69 = tpu.memref_slice %arg6[%mul3A_4, %dma_wait3A_68] : memref<163840x16xf32, #tpu.memory_space<hbm>> -> memref<128x16xf32, #tpu.memory_space<hbm>>
    %dma_wait3A_70 = arith.constant 0 : i32
    %dma_wait3A_71 = tpu.memref_slice %arg6[%mul3A_4, %dma_wait3A_70] : memref<163840x16xf32, #tpu.memory_space<hbm>> -> memref<128x16xf32, #tpu.memory_space<hbm>>
    %dma_wait3A_72 = arith.constant 0 : i32
    %dma_wait3A_73 = arith.constant 0 : i32
    %dma_wait3A_74 = tpu.memref_slice %arg10[%dma_wait3A, %dma_wait3A_72, %dma_wait3A_73] : memref<4x128x16xf32, #tpu.memory_space<vmem>> -> memref<1x128x16xf32, #tpu.memory_space<vmem>>
    %dma_wait3A_75 = tpu.memref_squeeze %dma_wait3A_74 : memref<1x128x16xf32, #tpu.memory_space<vmem>> -> memref<128x16xf32, #tpu.memory_space<vmem>>
    tpu.wait_dma2 semaphore(%arg18 : memref<!tpu.dma_semaphore, #tpu.memory_space<semaphore_mem>>) src(%dma_wait3A_75 : memref<128x16xf32, #tpu.memory_space<vmem>>) dst(%dma_wait3A_71 : memref<128x16xf32, #tpu.memory_space<hbm>>)
    %dma_wait3A_76 = arith.constant 1 : i32
    %dma_wait3A_77 = arith.constant 0 : i32
    %dma_wait3A_78 = arith.constant 0 : i32
    %dma_wait3A_79 = tpu.memref_slice %arg10[%dma_wait3A_76, %dma_wait3A_77, %dma_wait3A_78] : memref<4x128x16xf32, #tpu.memory_space<vmem>> -> memref<1x128x16xf32, #tpu.memory_space<vmem>>
    %dma_wait3A_80 = tpu.memref_squeeze %dma_wait3A_79 : memref<1x128x16xf32, #tpu.memory_space<vmem>> -> memref<128x16xf32, #tpu.memory_space<vmem>>
    %dma_wait3A_81 = arith.constant 0 : i32
    %dma_wait3A_82 = tpu.memref_slice %arg6[%mul3A_4, %dma_wait3A_81] : memref<163840x16xf32, #tpu.memory_space<hbm>> -> memref<128x16xf32, #tpu.memory_space<hbm>>
    %dma_wait3A_83 = arith.constant 0 : i32
    %dma_wait3A_84 = tpu.memref_slice %arg6[%mul3A_4, %dma_wait3A_83] : memref<163840x16xf32, #tpu.memory_space<hbm>> -> memref<128x16xf32, #tpu.memory_space<hbm>>
    %dma_wait3A_85 = arith.constant 0 : i32
    %dma_wait3A_86 = arith.constant 0 : i32
    %dma_wait3A_87 = tpu.memref_slice %arg10[%dma_wait3A_76, %dma_wait3A_85, %dma_wait3A_86] : memref<4x128x16xf32, #tpu.memory_space<vmem>> -> memref<1x128x16xf32, #tpu.memory_space<vmem>>
    %dma_wait3A_88 = tpu.memref_squeeze %dma_wait3A_87 : memref<1x128x16xf32, #tpu.memory_space<vmem>> -> memref<128x16xf32, #tpu.memory_space<vmem>>
    tpu.wait_dma2 semaphore(%arg19 : memref<!tpu.dma_semaphore, #tpu.memory_space<semaphore_mem>>) src(%dma_wait3A_88 : memref<128x16xf32, #tpu.memory_space<vmem>>) dst(%dma_wait3A_84 : memref<128x16xf32, #tpu.memory_space<hbm>>)
    %dma_wait3A_89 = arith.constant 2 : i32
    %dma_wait3A_90 = arith.constant 0 : i32
    %dma_wait3A_91 = arith.constant 0 : i32
    %dma_wait3A_92 = tpu.memref_slice %arg10[%dma_wait3A_89, %dma_wait3A_90, %dma_wait3A_91] : memref<4x128x16xf32, #tpu.memory_space<vmem>> -> memref<1x128x16xf32, #tpu.memory_space<vmem>>
    %dma_wait3A_93 = tpu.memref_squeeze %dma_wait3A_92 : memref<1x128x16xf32, #tpu.memory_space<vmem>> -> memref<128x16xf32, #tpu.memory_space<vmem>>
    %dma_wait3A_94 = arith.constant 0 : i32
    %dma_wait3A_95 = tpu.memref_slice %arg6[%mul3A_4, %dma_wait3A_94] : memref<163840x16xf32, #tpu.memory_space<hbm>> -> memref<128x16xf32, #tpu.memory_space<hbm>>
    %dma_wait3A_96 = arith.constant 0 : i32
    %dma_wait3A_97 = tpu.memref_slice %arg6[%mul3A_4, %dma_wait3A_96] : memref<163840x16xf32, #tpu.memory_space<hbm>> -> memref<128x16xf32, #tpu.memory_space<hbm>>
    %dma_wait3A_98 = arith.constant 0 : i32
    %dma_wait3A_99 = arith.constant 0 : i32
    %dma_wait3A_100 = tpu.memref_slice %arg10[%dma_wait3A_89, %dma_wait3A_98, %dma_wait3A_99] : memref<4x128x16xf32, #tpu.memory_space<vmem>> -> memref<1x128x16xf32, #tpu.memory_space<vmem>>
    %dma_wait3A_101 = tpu.memref_squeeze %dma_wait3A_100 : memref<1x128x16xf32, #tpu.memory_space<vmem>> -> memref<128x16xf32, #tpu.memory_space<vmem>>
    tpu.wait_dma2 semaphore(%arg20 : memref<!tpu.dma_semaphore, #tpu.memory_space<semaphore_mem>>) src(%dma_wait3A_101 : memref<128x16xf32, #tpu.memory_space<vmem>>) dst(%dma_wait3A_97 : memref<128x16xf32, #tpu.memory_space<hbm>>)
    %dma_wait3A_102 = arith.constant 3 : i32
    %dma_wait3A_103 = arith.constant 0 : i32
    %dma_wait3A_104 = arith.constant 0 : i32
    %dma_wait3A_105 = tpu.memref_slice %arg10[%dma_wait3A_102, %dma_wait3A_103, %dma_wait3A_104] : memref<4x128x16xf32, #tpu.memory_space<vmem>> -> memref<1x128x16xf32, #tpu.memory_space<vmem>>
    %dma_wait3A_106 = tpu.memref_squeeze %dma_wait3A_105 : memref<1x128x16xf32, #tpu.memory_space<vmem>> -> memref<128x16xf32, #tpu.memory_space<vmem>>
    %dma_wait3A_107 = arith.constant 0 : i32
    %dma_wait3A_108 = tpu.memref_slice %arg6[%mul3A_4, %dma_wait3A_107] : memref<163840x16xf32, #tpu.memory_space<hbm>> -> memref<128x16xf32, #tpu.memory_space<hbm>>
    %dma_wait3A_109 = arith.constant 0 : i32
    %dma_wait3A_110 = tpu.memref_slice %arg6[%mul3A_4, %dma_wait3A_109] : memref<163840x16xf32, #tpu.memory_space<hbm>> -> memref<128x16xf32, #tpu.memory_space<hbm>>
    %dma_wait3A_111 = arith.constant 0 : i32
    %dma_wait3A_112 = arith.constant 0 : i32
    %dma_wait3A_113 = tpu.memref_slice %arg10[%dma_wait3A_102, %dma_wait3A_111, %dma_wait3A_112] : memref<4x128x16xf32, #tpu.memory_space<vmem>> -> memref<1x128x16xf32, #tpu.memory_space<vmem>>
    %dma_wait3A_114 = tpu.memref_squeeze %dma_wait3A_113 : memref<1x128x16xf32, #tpu.memory_space<vmem>> -> memref<128x16xf32, #tpu.memory_space<vmem>>
    tpu.wait_dma2 semaphore(%arg21 : memref<!tpu.dma_semaphore, #tpu.memory_space<semaphore_mem>>) src(%dma_wait3A_114 : memref<128x16xf32, #tpu.memory_space<vmem>>) dst(%dma_wait3A_110 : memref<128x16xf32, #tpu.memory_space<hbm>>)
    %iota3A = tpu.iota {dimensions = array<i32: 0>} : vector<16xi32>
    %shift_right_logical3A = arith.constant 3 : i32
    %shift_right_logical3A_115 = vector.broadcast %shift_right_logical3A : i32 to vector<16xi32>
    %shift_right_logical3A_116 = arith.shrui %iota3A, %shift_right_logical3A_115 : vector<16xi32>
    %and3A = arith.constant 7 : i32
    %and3A_117 = vector.broadcast %and3A : i32 to vector<16xi32>
    %and3A_118 = arith.andi %iota3A, %and3A_117 : vector<16xi32>
    %shift_left3A = arith.constant 2 : i32
    %shift_left3A_119 = vector.broadcast %shift_left3A : i32 to vector<16xi32>
    %shift_left3A_120 = arith.shli %and3A_118, %shift_left3A_119 : vector<16xi32>
    %scan3A_121 = arith.constant 0 : i32
    %scan3A_122 = arith.constant 0 : i32
    %scan3A_123 = arith.constant 320 : i32
    %scan3A_124 = arith.addi %scan3A_122, %scan3A_123 : i32
    %scan3A_125 = arith.constant 1 : i32
    scf.for %scan3A_129 = %scan3A_122 to %scan3A_124 step %scan3A_125  : i32 {
      %mul3A_130 = arith.constant 16 : i32
      %mul3A_131 = arith.muli %scan3A_129, %mul3A_130 : i32
      %get3A = arith.index_cast %mul3A_131 : i32 to index
      %get3A_132 = tpu.vector_load %arg12[%get3A] {strides = array<i32>} : memref<5120xf32, #tpu.memory_space<vmem>>, vector<16xf32>,
      %mul3A_133 = arith.constant 2 : i32
      %mul3A_134 = arith.muli %scan3A_129, %mul3A_133 : i32
      %broadcast_in_dim3A = vector.broadcast %mul3A_134 : i32 to vector<16xi32>
      %add3A_135 = arith.addi %shift_right_logical3A_116, %broadcast_in_dim3A : vector<16xi32>
      %get3A_136 = arith.constant 0 : i32
      %get3A_137 = arith.index_cast %get3A_136 : i32 to index
      %get3A_138 = arith.index_cast %mul3A_131 : i32 to index
      %get3A_139 = tpu.vector_load %arg11[%get3A_137, %get3A_138] {strides = array<i32>} : memref<4x5120xf32, #tpu.memory_space<vmem>>, vector<16xf32>,
      %add3A_140 = arith.constant 0 : i32
      %add3A_141 = vector.broadcast %add3A_140 : i32 to vector<16xi32>
      %add3A_142 = arith.addi %shift_left3A_120, %add3A_141 : vector<16xi32>
      %mul3A_143 = arith.mulf %get3A_139, %get3A_132 : vector<16xf32>
      tpu.vector_store_idx %arg13[%add3A_135, %add3A_142], %mul3A_143 : memref<640x32xf32, #tpu.memory_space<vmem>>[vector<16xi32>, vector<16xi32>], vector<16xf32>,
      %get3A_144 = arith.constant 1 : i32
      %get3A_145 = arith.index_cast %get3A_144 : i32 to index
      %get3A_146 = arith.index_cast %mul3A_131 : i32 to index
      %get3A_147 = tpu.vector_load %arg11[%get3A_145, %get3A_146] {strides = array<i32>} : memref<4x5120xf32, #tpu.memory_space<vmem>>, vector<16xf32>,
      %add3A_148 = arith.constant 1 : i32
      %add3A_149 = vector.broadcast %add3A_148 : i32 to vector<16xi32>
      %add3A_150 = arith.addi %shift_left3A_120, %add3A_149 : vector<16xi32>
      %mul3A_151 = arith.mulf %get3A_147, %get3A_132 : vector<16xf32>
      tpu.vector_store_idx %arg13[%add3A_135, %add3A_150], %mul3A_151 : memref<640x32xf32, #tpu.memory_space<vmem>>[vector<16xi32>, vector<16xi32>], vector<16xf32>,
      %get3A_152 = arith.constant 2 : i32
      %get3A_153 = arith.index_cast %get3A_152 : i32 to index
      %get3A_154 = arith.index_cast %mul3A_131 : i32 to index
      %get3A_155 = tpu.vector_load %arg11[%get3A_153, %get3A_154] {strides = array<i32>} : memref<4x5120xf32, #tpu.memory_space<vmem>>, vector<16xf32>,
      %add3A_156 = arith.constant 2 : i32
      %add3A_157 = vector.broadcast %add3A_156 : i32 to vector<16xi32>
      %add3A_158 = arith.addi %shift_left3A_120, %add3A_157 : vector<16xi32>
      %mul3A_159 = arith.mulf %get3A_155, %get3A_132 : vector<16xf32>
      tpu.vector_store_idx %arg13[%add3A_135, %add3A_158], %mul3A_159 : memref<640x32xf32, #tpu.memory_space<vmem>>[vector<16xi32>, vector<16xi32>], vector<16xf32>,
      %get3A_160 = arith.constant 3 : i32
      %get3A_161 = arith.index_cast %get3A_160 : i32 to index
      %get3A_162 = arith.index_cast %mul3A_131 : i32 to index
      %get3A_163 = tpu.vector_load %arg11[%get3A_161, %get3A_162] {strides = array<i32>} : memref<4x5120xf32, #tpu.memory_space<vmem>>, vector<16xf32>,
      %add3A_164 = arith.constant 3 : i32
      %add3A_165 = vector.broadcast %add3A_164 : i32 to vector<16xi32>
      %add3A_166 = arith.addi %shift_left3A_120, %add3A_165 : vector<16xi32>
      %mul3A_167 = arith.mulf %get3A_163, %get3A_132 : vector<16xf32>
      tpu.vector_store_idx %arg13[%add3A_135, %add3A_166], %mul3A_167 : memref<640x32xf32, #tpu.memory_space<vmem>>[vector<16xi32>, vector<16xi32>], vector<16xf32>,
    }
    %scan3A_126 = arith.constant 320 : i32
    %mul3A_127 = arith.constant 640 : i32
    %mul3A_128 = arith.muli %add3A, %mul3A_127 : i32
    "tpu.region"() ({
      %run_scoped3A_129 = tpu.sem_alloc : memref<!tpu.dma_semaphore, #tpu.memory_space<semaphore_mem>>
      %dma_start3A_130 = arith.constant 0 : i32
      %dma_start3A_131 = tpu.memref_slice %arg7[%mul3A_128, %dma_start3A_130] : memref<20480x128xf32, #tpu.memory_space<hbm>> -> memref<640x32xf32, #tpu.memory_space<hbm>>
      %dma_start3A_132 = arith.constant 0 : i32
      %dma_start3A_133 = tpu.memref_slice %arg7[%mul3A_128, %dma_start3A_132] : memref<20480x128xf32, #tpu.memory_space<hbm>> -> memref<640x32xf32, #tpu.memory_space<hbm>>
      tpu.enqueue_dma source(%arg13 : memref<640x32xf32, #tpu.memory_space<vmem>>) target(%dma_start3A_133 : memref<640x32xf32, #tpu.memory_space<hbm>>) target_semaphore(%run_scoped3A_129 : memref<!tpu.dma_semaphore, #tpu.memory_space<semaphore_mem>>)
      %dma_wait3A_134 = arith.constant 0 : i32
      %dma_wait3A_135 = tpu.memref_slice %arg7[%mul3A_128, %dma_wait3A_134] : memref<20480x128xf32, #tpu.memory_space<hbm>> -> memref<640x32xf32, #tpu.memory_space<hbm>>
      %dma_wait3A_136 = arith.constant 0 : i32
      %dma_wait3A_137 = tpu.memref_slice %arg7[%mul3A_128, %dma_wait3A_136] : memref<20480x128xf32, #tpu.memory_space<hbm>> -> memref<640x32xf32, #tpu.memory_space<hbm>>
      tpu.wait_dma2 semaphore(%run_scoped3A_129 : memref<!tpu.dma_semaphore, #tpu.memory_space<semaphore_mem>>) src(%arg13 : memref<640x32xf32, #tpu.memory_space<vmem>>) dst(%dma_wait3A_137 : memref<640x32xf32, #tpu.memory_space<hbm>>)
      tpu.yield
    }) : () -> ()
    return
  }
}

module attributes {stable_mosaic.version = 14 : i64} {
  func.func @_add_body(%arg0: memref<2x1280x128xf32, #tpu.memory_space<vmem>>, %arg1: memref<1250x128xf32, #tpu.memory_space<vmem>>) attributes {dimension_semantics = [], scalar_prefetch = 0 : i64, scratch_operands = 0 : i64, tpu.core_type = #tpu.core_type<tc>} {
    %get3A = arith.constant 0 : index
    %get3A_0 = arith.constant 0 : index
    %get3A_1 = arith.constant 0 : index
    %get3A_2 = vector.load %arg0[%get3A, %get3A_0, %get3A_1] : memref<2x1280x128xf32, #tpu.memory_space<vmem>>, vector<1x1280x128xf32>
    %get3A_3 = vector.shape_cast %get3A_2 : vector<1x1280x128xf32> to vector<1280x128xf32>
    %get3A_4 = arith.constant 1 : index
    %get3A_5 = arith.constant 0 : index
    %get3A_6 = arith.constant 0 : index
    %get3A_7 = vector.load %arg0[%get3A_4, %get3A_5, %get3A_6] : memref<2x1280x128xf32, #tpu.memory_space<vmem>>, vector<1x1280x128xf32>
    %get3A_8 = vector.shape_cast %get3A_7 : vector<1x1280x128xf32> to vector<1280x128xf32>
    %add3A = arith.addf %get3A_3, %get3A_8 : vector<1280x128xf32>
    %slice3A = vector.extract_strided_slice %add3A {offsets = [0, 0], sizes = [1250, 128], strides = [1, 1]} : vector<1280x128xf32> to vector<1250x128xf32>
    %swap3A = arith.constant 0 : index
    %swap3A_9 = arith.constant 0 : index
    %swap3A_10 = vector.load %arg1[%swap3A, %swap3A_9] : memref<1250x128xf32, #tpu.memory_space<vmem>>, vector<1250x128xf32>
    tpu.vector_store %arg1[%swap3A, %swap3A_9], %slice3A {strides = array<i32>} : memref<1250x128xf32, #tpu.memory_space<vmem>>, vector<1250x128xf32>,
    return
  }
}

module attributes {stable_mosaic.version = 14 : i64} {
  func.func @_tp_body(%arg0: i32, %arg1: memref<1024x128xf32, #tpu.memory_space<vmem>>, %arg2: memref<1024x128xf32, #tpu.memory_space<vmem>>, %arg3: memref<128x512xf32, #tpu.memory_space<vmem>>, %arg4: memref<32x512xf32, #tpu.memory_space<vmem>>, %arg5: memref<1024x128xf32, #tpu.memory_space<vmem>>) attributes {dimension_semantics = [#tpu.dimension_semantics<arbitrary>], iteration_bounds = array<i64: 20>, scalar_prefetch = 0 : i64, scratch_operands = 0 : i64, tpu.core_type = #tpu.core_type<tc>, window_params = [{transform_indices = @transform_0, window_bounds = array<i64: 1024, 128>}, {transform_indices = @transform_1, window_bounds = array<i64: 1024, 128>}, {pipeline_mode = #tpu.pipeline_mode<synchronous>, transform_indices = @transform_2, window_bounds = array<i64: 128, 512>}, {pipeline_mode = #tpu.pipeline_mode<synchronous>, transform_indices = @transform_3, window_bounds = array<i64: 32, 512>}, {transform_indices = @transform_4, window_bounds = array<i64: 1024, 128>}]} {
    %get3A = arith.constant 0 : index
    %get3A_0 = arith.constant 0 : index
    %get3A_1 = vector.load %arg1[%get3A, %get3A_0] : memref<1024x128xf32, #tpu.memory_space<vmem>>, vector<1024x128xf32>
    %get3A_2 = arith.constant 0 : index
    %get3A_3 = arith.constant 0 : index
    %get3A_4 = vector.load %arg3[%get3A_2, %get3A_3] : memref<128x512xf32, #tpu.memory_space<vmem>>, vector<128x512xf32>
    %dot_general3A = arith.constant dense<0.000000e+00> : vector<1024x512xf32>
    %dot_general3A_5 = tpu.matmul %get3A_1, %get3A_4, %dot_general3A {dimension_numbers = #tpu.dot_dimension_numbers<[1], [0], [0], [1], [0, 0, 1, 1], [], []>, transpose_lhs_hint = false} : vector<1024x128xf32>, vector<128x512xf32>, vector<1024x512xf32> -> vector<1024x512xf32>
    %get3A_6 = arith.constant 0 : index
    %get3A_7 = arith.constant 0 : index
    %get3A_8 = vector.load %arg2[%get3A_6, %get3A_7] : memref<1024x128xf32, #tpu.memory_space<vmem>>, vector<1024x128xf32>
    %slice3A = vector.extract_strided_slice %get3A_8 {offsets = [0, 0], sizes = [1024, 32], strides = [1, 1]} : vector<1024x128xf32> to vector<1024x32xf32>
    %get3A_9 = arith.constant 0 : index
    %get3A_10 = arith.constant 0 : index
    %get3A_11 = vector.load %arg4[%get3A_9, %get3A_10] : memref<32x512xf32, #tpu.memory_space<vmem>>, vector<32x512xf32>
    %dot_general3A_12 = arith.constant dense<0.000000e+00> : vector<1024x512xf32>
    %dot_general3A_13 = tpu.matmul %slice3A, %get3A_11, %dot_general3A_12 {dimension_numbers = #tpu.dot_dimension_numbers<[1], [0], [0], [1], [0, 0, 1, 1], [], []>, transpose_lhs_hint = false} : vector<1024x32xf32>, vector<32x512xf32>, vector<1024x512xf32> -> vector<1024x512xf32>
    %mul3A = arith.mulf %dot_general3A_5, %dot_general3A_13 : vector<1024x512xf32>
    %slice3A_14 = vector.extract_strided_slice %mul3A {offsets = [0, 0], sizes = [1024, 128], strides = [1, 1]} : vector<1024x512xf32> to vector<1024x128xf32>
    %slice3A_15 = vector.extract_strided_slice %mul3A {offsets = [0, 128], sizes = [1024, 128], strides = [1, 1]} : vector<1024x512xf32> to vector<1024x128xf32>
    %add3A = arith.addf %slice3A_14, %slice3A_15 : vector<1024x128xf32>
    %slice3A_16 = vector.extract_strided_slice %mul3A {offsets = [0, 256], sizes = [1024, 128], strides = [1, 1]} : vector<1024x512xf32> to vector<1024x128xf32>
    %slice3A_17 = vector.extract_strided_slice %mul3A {offsets = [0, 384], sizes = [1024, 128], strides = [1, 1]} : vector<1024x512xf32> to vector<1024x128xf32>
    %add3A_18 = arith.addf %slice3A_16, %slice3A_17 : vector<1024x128xf32>
    %add3A_19 = arith.addf %add3A, %add3A_18 : vector<1024x128xf32>
    %swap3A = arith.constant 0 : index
    %swap3A_20 = arith.constant 0 : index
    %swap3A_21 = vector.load %arg5[%swap3A, %swap3A_20] : memref<1024x128xf32, #tpu.memory_space<vmem>>, vector<1024x128xf32>
    tpu.vector_store %arg5[%swap3A, %swap3A_20], %add3A_19 {strides = array<i32>} : memref<1024x128xf32, #tpu.memory_space<vmem>>, vector<1024x128xf32>,
    return
  }
  func.func @transform_0(%arg0: i32) -> (i32, i32) {
    %c0_i32 = arith.constant 0 : i32
    %c0_i32_0 = arith.constant 0 : i32
    return %arg0, %c0_i32 : i32, i32
  }
  func.func @transform_1(%arg0: i32) -> (i32, i32) {
    %c0_i32 = arith.constant 0 : i32
    %c0_i32_0 = arith.constant 0 : i32
    return %arg0, %c0_i32 : i32, i32
  }
  func.func @transform_2(%arg0: i32) -> (i32, i32) {
    %c0_i32 = arith.constant 0 : i32
    %c0_i32_0 = arith.constant 0 : i32
    %c0_i32_1 = arith.constant 0 : i32
    return %c0_i32, %c0_i32_0 : i32, i32
  }
  func.func @transform_3(%arg0: i32) -> (i32, i32) {
    %c0_i32 = arith.constant 0 : i32
    %c0_i32_0 = arith.constant 0 : i32
    %c0_i32_1 = arith.constant 0 : i32
    return %c0_i32, %c0_i32_0 : i32, i32
  }
  func.func @transform_4(%arg0: i32) -> (i32, i32) {
    %c0_i32 = arith.constant 0 : i32
    %c0_i32_0 = arith.constant 0 : i32
    return %arg0, %c0_i32 : i32, i32
  }
}

</mosaic_0001>

<sc_bundles>
// kernel: kernel.6.cloned.1.call-start
scs
__scs_entry_jumppad:
0x0: {  	(pc) =	sbr.rel $0x88, $3  }
0x1: {  	(tag) =	ssettag $0x0;
	lr =	simm.s32 $0x1  }
0x2: {  	[smem:$0x3F9A] =	sst lr;
	_ =	strace $0xD0000000  }
0x3: {  	_ = 	snop  }
0x4: {  	_ = 	snop  }
0x5: {  	_ = 	snop  }
0x6: {  	_ = 	snop  }
0x7: {  	_ = 	snop  }
__scs_overlays_trampoline_lowered:
0x8: {  	[smem:$0x3FA9] =	sst s0  }
0x9: {  	[smem:$0x3FAA] =	sst s1  }
0xa: {  	[smem:$0x3FAB] =	sst s2  }
0xb: {  	[smem:$0x3FAC] =	sst s3  }
0xc: {  	[smem:$0x3FAD] =	sst s4  }
0xd: {  	[smem:$0x3FAE] =	sst s5  }
0xe: {  	[smem:$0x3FAF] =	sst s6  }
0xf: {  	[smem:$0x3FB0] =	sst s7  }
0x10: {  	[smem:$0x3FB1] =	sst s8  }
0x11: {  	[smem:$0x3FB2] =	sst s9;
	s0 =	simm.s32 @!p0 $0x0  }
0x12: {  	s1 =	sld [smem:$0x3F98];
	s0 =	simm.s32 @p0 $0x1  }
0x13: {  	[smem:$0x3FB3] =	sst s0;
	s0 =	simm.s32 @!p1 $0x0  }
0x14: {  	s2 =	sld [smem:$0x3F97];
	s0 =	simm.s32 @p1 $0x1  }
0x15: {  	[smem:$0x3FB4] =	sst s0;
	s0 =	simm.s32 @!p2 $0x0  }
0x16: {  	s3 =	sld [smem:$0x3FDB];
	s0 =	simm.s32 @p2 $0x1  }
0x17: {  	s4 =	simm.s32 $0x1BF5;
	[smem:$0x3FB6] =	sst s0  }
0x18: {  	s0 =	sld [smem:$0x3F99];
	_ =	swait.ge [sflag:s4], $0x0  }
0x19: {  	s7 =	sld [smem:$0x3F9A]  }
0x1a: {  	s8 =	sadd.s32 $0xFFFFE003, lr  }
0x1b: {  	s9 =	sadd.s32 $0xFFFFFEF7, lr;
	s5 =	simm.s32 $0xFFFFFFFF;
	p2 =	slt.u32 s8, $0xFFFFF086  }
0x1c: {  	p1 =	slt.u32 s9, $0xF7A;
	s5 =	simm.s32 @!p2 $0x0  }
0x1d: {  	s5 =	simm.s32 @p1 $0x1;
	p0 =	seq.s32 s7, s2  }
0x1e: {  	s7 =	smul.u32 @!p0 $0xF7A, s2;
	p2 =	seq.s32 @!p0 s5, $0x0  }
0x1f: {  	s9 =	smul.u32 $0xF7A, s1;
	s8 =	simm.s32 @!p0 $0x1BF5;
	p2 =	por !p2, p0  }
0x20: {  	[sflag:s8] =	ssyncset.s32 @!p0 $0xFFFFF086;
	s6 =	sadd.s32 @!p0 s3, s7;
	s7 =	simm.s32 @!p0 $0x108  }
0x21: {  	s3 =	sadd.s32 s3, s9;
	s6 =	sadd.s32 @!p0 $0x88, s6;
	s7 =	simm.s32 @p2 $0x1082  }
0x22: {  	[simem:s7], [sflag:s8] =	dma.local @!p0 [hbm:s6], $0xF7A  }
0x23: {  	s9 =	sor.u32 $0xD0000000, s2;
	s6 =	simm.s32 $0x108;
	_ =	swait.ge @!p0 [sflag:s8], $0x0  }
0x24: {  	s3 =	sadd.s32 $0x88, s3;
	s6 =	simm.s32 @!p1 $0x1082;
	[sflag:s4] =	ssyncset.s32 $0xFFFFF086  }
0x25: {  	[simem:s6], [sflag:s4] =	dma.local [hbm:s3], $0xF7A  }
0x26: {  	[smem:$0x3F9A] =	sst s1;
	(tag) =	ssettag s2;
	_ =	strace s9  }
0x27: {  	s1 =	sld [smem:$0x3FAA]  }
0x28: {  	s2 =	sld [smem:$0x3FAB]  }
0x29: {  	s4 =	sld [smem:$0x3FAD]  }
0x2a: {  	p0 =	seq.s32 s5, $0x0;
	s5 =	sld [smem:$0x3FAE]  }
0x2b: {  	s6 =	sld [smem:$0x3FAF]  }
0x2c: {  	s7 =	sld [smem:$0x3FB0]  }
0x2d: {  	s3 =	simm.s32 $0x108;
	s8 =	sld [smem:$0x3FB1]  }
0x2e: {  	s3 =	simm.s32 @!p0 $0x1082;
	s9 =	sld [smem:$0x3FB2]  }
0x2f: {  	lr =	sadd.s32 s0, s3;
	s0 =	sld [smem:$0x3FA9]  }
0x30: {  	s3 =	sld [smem:$0x3FAC]  }
0x31: {  	[smem:$0x3FB5] =	sst s10  }
0x32: {  	s10 =	sld [smem:$0x3FB3];
	_ =	sdelay $0x3  }
0x33: {  	p0 =	seq.s32 s10, $0x1;
	s10 =	sld [smem:$0x3FB5];
	_ =	sdelay $0x3  }
0x34: {  	[smem:$0x3FB5] =	sst s10  }
0x35: {  	s10 =	sld [smem:$0x3FB4];
	_ =	sdelay $0x3  }
0x36: {  	p1 =	seq.s32 s10, $0x1;
	s10 =	sld [smem:$0x3FB5];
	_ =	sdelay $0x3  }
0x37: {  	[smem:$0x3FB5] =	sst s10  }
0x38: {  	s10 =	sld [smem:$0x3FB6]  }
0x39: {  	_ = 	snop;
	(pc) =	sbr.ind lr, $3  }
0x3a: {  	_ = 	snop  }
0x3b: {  	_ = 	snop  }
0x3c: {  	p2 =	seq.s32 s10, $0x1;
	s10 =	sld [smem:$0x3FB5]  }
0x3d: {  	_ =	shalt  }
0x3e: {  	_ =	shalt  }
0x3f: {  	_ =	shalt  }
0x40: {  	_ =	shalt  }
0x41: {  	_ =	shalt  }
0x42: {  	_ =	shalt  }
0x43: {  	_ =	shalt  }
0x44: {  	_ =	shalt  }
0x45: {  	_ =	shalt  }
0x46: {  	_ =	shalt  }
0x47: {  	_ =	shalt  }
0x48: {  	_ =	shalt  }
0x49: {  	_ =	shalt  }
0x4a: {  	_ =	shalt  }
0x4b: {  	_ =	shalt  }
0x4c: {  	_ =	shalt  }
0x4d: {  	_ =	shalt  }
0x4e: {  	_ =	shalt  }
0x4f: {  	_ =	shalt  }
0x50: {  	_ =	shalt  }
0x51: {  	_ =	shalt  }
0x52: {  	_ =	shalt  }
0x53: {  	_ =	shalt  }
0x54: {  	_ =	shalt  }
0x55: {  	_ =	shalt  }
0x56: {  	_ =	shalt  }
0x57: {  	_ =	shalt  }
0x58: {  	_ =	shalt  }
0x59: {  	_ =	shalt  }
0x5a: {  	_ =	shalt  }
0x5b: {  	_ =	shalt  }
0x5c: {  	_ =	shalt  }
0x5d: {  	_ =	shalt  }
0x5e: {  	_ =	shalt  }
0x5f: {  	_ =	shalt  }
0x60: {  	_ =	shalt  }
0x61: {  	_ =	shalt  }
0x62: {  	_ =	shalt  }
0x63: {  	_ =	shalt  }
0x64: {  	_ =	shalt  }
0x65: {  	_ =	shalt  }
0x66: {  	_ =	shalt  }
0x67: {  	_ =	shalt  }
0x68: {  	_ =	shalt  }
0x69: {  	_ =	shalt  }
0x6a: {  	_ =	shalt  }
0x6b: {  	_ =	shalt  }
0x6c: {  	_ =	shalt  }
0x6d: {  	_ =	shalt  }
0x6e: {  	_ =	shalt  }
0x6f: {  	_ =	shalt  }
0x70: {  	_ =	shalt  }
0x71: {  	_ =	shalt  }
0x72: {  	_ =	shalt  }
0x73: {  	_ =	shalt  }
0x74: {  	_ =	shalt  }
0x75: {  	_ =	shalt  }
0x76: {  	_ =	shalt  }
0x77: {  	_ =	shalt  }
0x78: {  	_ =	shalt  }
0x79: {  	_ =	shalt  }
0x7a: {  	_ =	shalt  }
0x7b: {  	_ =	shalt  }
0x7c: {  	_ =	shalt  }
0x7d: {  	_ =	shalt  }
0x7e: {  	_ =	shalt  }
0x7f: {  	_ =	shalt  }
0x80: {  	_ =	shalt  }
0x81: {  	_ =	shalt  }
0x82: {  	_ =	shalt  }
0x83: {  	_ =	shalt  }
0x84: {  	_ =	shalt  }
0x85: {  	_ =	shalt  }
0x86: {  	_ =	shalt  }
0x87: {  	_ =	shalt  }
.Lfunc_end0:
.L_simem_size_0:
called_computation_lowered:
.L_overlay_start_0:
0x88: {  	s2 =	sld [smem:$0x3FD9]  }
0x89: {  	s3 =	sld [smem:$0x3FFE];
	_ =	sdelay $0x1  }
0x8a: {  	s1 =	srdreg.scid  }
0x8b: {  	s0 =	sand.u32 $0x1, s1  }
0x8c: {  	s17 =	sshll.u32 s0, $0xA;
	s2 =	sadd.s32 s3, s2  }
0x8d: {  	s2 =	sadd.s32 s2, s17  }
0x8e: {  	[smem:$0x3FC1] =	sst s2  }
0x8f: {  	_ = 	snop  }
0x90: {  	s2 =	sld [smem:$0x3FD0];
	(tm) =	ssettm $0x1  }
0x91: {  	s18 =	sld [smem:$0x3FFB];
	_ =	sdelay $0x3  }
0x92: {  	_ =	strace s18  }
0x93: {  	s3 =	sld [smem:$0x3FFC];
	_ =	sdelay $0x3  }
0x94: {  	_ =	strace s3  }
0x95: {  	s3 =	sld [smem:$0x3FFD];
	_ =	sdelay $0x3  }
0x96: {  	_ =	strace s3  }
0x97: {  	_ =	strace $0x8FFFFFFF  }
0x98: {  	s19 =	sld [smem:$0x3FDB];
	_ =	sdelay $0x1  }
0x99: {  	s4 =	simm.s32 $_scs_section_size  }
0x9a: {  	s5 =	simm.s32 $_size__tile_overlayer_lowered;
	s6 =	simm.s32 $_tile_overlayer_lowered  }
0x9b: {  	s22 =	simm.s32 $0x1BFF;
	s21 =	sshll.u32 s6, $0x1;
	s3 =	sadd.s32 s4, s19  }
0x9c: {  	s7 =	simm.s32 $0x0;
	s20 =	sshll.u32 s5, $0x1;
	s5 =	sadd.s32 s21, s3  }
0x9d: {  	[timem:s7], [sflag:s22] =	dma.local [hbm:s5], s20  }
0x9e: {  	_ =	swait.ge [sflag:s22], s20  }
0x9f: {  	s4 =	ssub.s32 $0x0, s20;
	[sflag:s22] =	ssyncset.done $0x0  }
0xa0: {  	[sflag:s22] =	ssyncadd.s32 s4;
	_ =	sdelay $0x1  }
0xa1: {  	s23 =	simm.s32 $0x1B8B  }
0xa2: {  	_ =	swait.ge [sflag:s23], $0x1  }
0xa3: {  	[sflag:s23] =	ssyncset.done $0x0  }
0xa4: {  	s25 =	simm.s32 $0x1B8E;
	s24 =	sld [smem:$0x3FFE];
	[sflag:s23] =	ssyncadd.s32 $0xFFFFFFFF  }
0xa5: {  	s26 =	simm.s32 $execute0_lowered;
	[smem:$0x3FD2] =	sst s25  }
0xa6: {  	s5 =	sshll.u32 s26, $0x1;
	_ =	strace $0x80000046;
	[dreg:$0x1] =	wrdreg $0xFFFFFFFF  }
0xa7: {  	s28 =	simm.s32 $_size_execute0_lowered;
	s3 =	sadd.s32 s3, s5;
	[dreg:$0x0] =	wrdreg $0x0  }
0xa8: {  	s5 =	sshll.u32 s28, $0x1;
	[dreg:$0x2] =	wrdreg s3  }
0xa9: {  	[dreg:$0x3] =	wrdreg s5  }
0xaa: {  	[dreg:$0x4] =	wrdreg $0xC0  }
0xab: {  	_ =	task [dreg:s7], $0x5FFFF  }
0xac: {  	[dreg:$0x1] =	wrdreg $0xFFFFFFFF  }
0xad: {  	[dreg:$0x0] =	wrdreg $0x60  }
0xae: {  	[dreg:$0x2] =	wrdreg s2  }
0xaf: {  	[dreg:$0x3] =	wrdreg s24  }
0xb0: {  	[dreg:$0x4] =	wrdreg $0x0  }
0xb1: {  	[dreg:$0x5] =	wrdreg $0x9  }
0xb2: {  	_ =	task.clear_ibuf [dreg:s7], $0x6FFFF;
	_ =	strace $0x90000046  }
0xb3: {  	s29 =	simm.s32 $0x9;
	_ =	strace $0x80000048  }
0xb4: {  	_ =	swait.ge [sflag:s29], $0x1  }
0xb5: {  	[sflag:s29] =	ssyncadd.s32 $0xFFFFFFFF  }
0xb6: {  	_ =	strace $0x90000048  }
0xb7: {  	_ =	sfence  }
0xb8: {  	s30 =	sld [smem:$0x0];
	_ =	sdelay $0x2  }
0xb9: {  	s31 =	sshll.u32 s1, $0xD;
	s1 =	sshrl.u32 s1, $0x2  }
0xba: {  	s3 =	sand.u32 $0x4000, s31;
	s1 =	sadd.s32 s1, s30  }
0xbb: {  	s0 =	sor.u32 s3, s0;
	s1 =	sshll.u32 s1, $0x11  }
0xbc: {  	s0 =	sor.u32 s1, s0  }
0xbd: {  	s0 =	sadd.s32 $0x8F2B, s0  }
0xbe: {  	[sflag:s0] =	ssyncadd.remote.s32 $0x1  }
0xbf: {  	_ =	sfence.sel $0xFFFF  }
0xc0: {  	[dreg:$0x0] =	wrdreg $0xFFFFFFFF;
	(pc) =	sbr.abs _section_cstart, $3  }
0xc1: {  	[dreg:$0x1] =	wrdreg $0xFFFFFFFF  }
0xc2: {  	_ =	task.clear_ibuf [dreg:s7], $0x2FFFF;
	_ =	strace $0x9FFFFFFF  }
0xc3: {  	(tm) =	ssettm $0x7FFFFFFF  }
tec
execute0_lowered:
.L_overlay_start_1:
0x0: {  	(tag) =	ssettag $0x1  }
0x1: {  	s0 =	srdreg.scid;
	s1 =	rddreg [dreg:$0x1]  }
0x2: {  	s4 =	stileid.u32;
	s2 =	rddreg [dreg:$0x2];
	s29 =	simm.s32 $0x80  }
0x3: {  	s30 =	simm.s32 $0x3B10;
	s28 =	simm.s32 $0x2;
	s21 =	smul.u32 $0x1400, s4  }
0x4: {  	s31 =	simm.s32 $0x3;
	s0 =	sand.u32 $0x1, s0;
	s23 =	smul.u32 $0x14000, s4  }
0x5: {  	s10 =	sadd.s32 $0x20200, s1;
	s3 =	sshll.u32 s0, $0x4;
	s19 =	smul.u32 $0x140000, s0  }
0x6: {  	s8 =	ssub.s32 $0x2, s0;
	s0 =	smul.u32 $0x14000, s0;
	s5 =	sor.u32 s4, s3  }
0x7: {  	p0 =	sne.s32 s4, $0x0;
	s3 =	simm.s32 $0x0;
	s6 =	smul.u32 $0x1400, s5  }
0x8: {  	s9 =	sshrl.u32 s8, $0x1;
	s4 =	simm.s32 $0x6;
	s7 =	smul.u32 $0x2800, s5  }
0x9: {  	[smem:$0x7FF] =	sst s3;
	s8 =	ssub.s32 s8, s9;
	s5 =	smul.u32 $0x14000, s5  }
0xa: {  	s0 =	sadd.s32 s21, s0;
	s26 =	sadd.s32 s23, s19;
	s21 =	simm.s32 $0x2710  }
0xb: {  	s23 =	simm.s32 $0x4B10;
	_ =	strace $0x80000047;
	s22 =	smax.u32 s8, $0x1  }
0xc: {  	s0 =	sshll.u32 s0, $0x1;
	s8 =	simm.s32 $0x0;
	s6 =	sshrl.u32 s6, $0x3  }
0xd: {  	s20 =	sshrl.u32 s5, $0x3;
	[dreg:$0xb] =	wrdreg s22;
	s24 =	sadd.s32 s10, s7  }
0xe: {  	s5 =	sshrl.u32 s26, $0x3;
	s6 =	sadd.s32 s6, s1;
	s25 =	sadd.s32 $0x2500, s24  }
0xf: {  	s0 =	sadd.s32 s0, s10;
	s15 =	sadd.s32 $0x1B200, s6;
	[dreg:$0xd] =	wrdreg s25  }
0x10: {  	s22 =	simm.s32 $0x9;
	s16 =	sadd.s32 $0x2200, s6;
	[dreg:$0x4] =	wrdreg s15  }
0x11: {  	s26 =	simm.s32 $0x1;
	s17 =	sadd.s32 $0x7200, s6;
	[dreg:$0x5] =	wrdreg s16  }
0x12: {  	s1 =	sadd.s32 s7, s1;
	s18 =	sadd.s32 $0xC200, s6;
	[dreg:$0x6] =	wrdreg s17  }
0x13: {  	s14 =	sadd.s32 $0x2600, s24;
	s11 =	sadd.s32 $0x11200, s6;
	[dreg:$0x7] =	wrdreg s18  }
0x14: {  	s19 =	sadd.s32 $0x100, s0;
	s6 =	sadd.s32 $0x16200, s6;
	[dreg:$0x8] =	wrdreg s11  }
0x15: {  	s7 =	simm.s32 $0xBF10;
	s1 =	sadd.s32 $0x70200, s1;
	[dreg:$0x9] =	wrdreg s6  }
0x16: {  	v0 =	vlaneseq.u32;
	s25 =	simm.s32 $0x5310;
	[dreg:$0xa] =	wrdreg s1;
	s1 =	sadd.s32 s10, s20  }
0x17: {  	v1 =	vand.u32 $0x7, v0;
	s15 =	sadd.s32 $0x2700, s24;
	s16 =	sadd.s32 s5, s10;
	s17 =	sadd.s32 $0x300, s0  }
0x18: {  	v2 =	vshrl.u32 v0, $0x3;
	v0 =	vmul.u32 $0x4, v1;
	s18 =	sadd.s32 $0x200, s0;
	s20 =	sshrl.u32 @!p0 s2, $0x3;
	s0 =	simm.s32 $0x4  }
0x19: {  	v1 =	vmul.u32 $0x20, v2;
	s24 =	simm.s32 $0x5;
	s5 =	simm.s32 $0x7;
	s1 =	sadd.s32 $0x2400, s1  }
0x1a: {  	v2 =	vor.u32 $0x1, v0;
	v3 =	vor.u32 $0x2, v0;
	v4 =	vor.u32 $0x3, v0;
	s6 =	simm.s32 $0x8;
	[dreg:$0xc] =	wrdreg s1;
	s1 =	simm.s32 $0x4310  }
.LBB2_1:
0x1b: {  	s9 =	simm.s32 @!p0 $0x1C09;
	s10 =	rddreg [dreg:$0x0]  }
0x1c: {  	[spmem:s20], [sflag:s9] =	dma.local @!p0 [hbm:s10], $0x4E20  }
0x1d: {  	s9 =	simm.s32 @!p0 $0x9  }
0x1e: {  	_ =	swait.ge @!p0 [sflag:s9], $0x4E20  }
0x1f: {  	[sflag:s9] =	ssyncset.done @!p0 $0x0  }
0x20: {  	s13 =	rddreg [dreg:$0x4];
	[sflag:s9] =	ssyncadd.s32 @!p0 $0xFFFFB1E0  }
0x21: {  	[tilespmem:s21], [sflag:$0x9] =	stream.linear.gather [hbm4b:s13+s3], $0x1400, $0x38;
	[tilespmem:$0x10F10] =	vst v63  }
0x22: {  	_ =	swait.ge [sflag:s22], $0x1400  }
0x23: {  	[sflag:s22] =	ssyncset.done $0x0  }
0x24: {  	[sflag:s22] =	ssyncadd.s32 $0xFFFFEC00  }
0x25: {  	[bflag:$0x0] =	sbarrier.arrive $0xFFFF  }
0x26: {  	s11 =	simm.s32 $0x5B10;
	s10 =	rddreg [dreg:$0x5]  }
0x27: {  	[tilespmem:s11], [sflag:$0x9] =	stream.linear.gather [hbm4b:s10+s3], $0x1400, $0x38;
	[tilespmem:$0x10F10] =	vst v63  }
0x28: {  	_ =	swait.ge [sflag:s22], $0x1400  }
0x29: {  	[sflag:s22] =	ssyncset.done $0x0  }
0x2a: {  	s13 =	simm.s32 $0x6F10;
	s12 =	rddreg [dreg:$0x6];
	[sflag:s22] =	ssyncadd.s32 $0xFFFFEC00  }
0x2b: {  	[tilespmem:s13], [sflag:$0x9] =	stream.linear.gather [hbm4b:s12+s3], $0x1400, $0x38;
	[tilespmem:$0x10F10] =	vst v63  }
0x2c: {  	_ =	swait.ge [sflag:s22], $0x1400  }
0x2d: {  	[sflag:s22] =	ssyncset.done $0x0  }
0x2e: {  	s11 =	simm.s32 $0x8310;
	s10 =	rddreg [dreg:$0x7];
	[sflag:s22] =	ssyncadd.s32 $0xFFFFEC00  }
0x2f: {  	[tilespmem:s11], [sflag:$0x9] =	stream.linear.gather [hbm4b:s10+s3], $0x1400, $0x38;
	[tilespmem:$0x10F10] =	vst v63  }
0x30: {  	_ =	swait.ge [sflag:s22], $0x1400  }
0x31: {  	[sflag:s22] =	ssyncset.done $0x0  }
0x32: {  	s13 =	simm.s32 $0x9710;
	s12 =	rddreg [dreg:$0x8];
	[sflag:s22] =	ssyncadd.s32 $0xFFFFEC00  }
0x33: {  	[tilespmem:s13], [sflag:$0x9] =	stream.linear.gather [hbm4b:s12+s3], $0x1400, $0x38;
	[tilespmem:$0x10F10] =	vst v63  }
0x34: {  	_ =	swait.ge [sflag:s22], $0x1400  }
0x35: {  	[sflag:s22] =	ssyncset.done $0x0  }
0x36: {  	s11 =	simm.s32 $0xAB10;
	s10 =	rddreg [dreg:$0x9];
	[sflag:s22] =	ssyncadd.s32 $0xFFFFEC00  }
0x37: {  	[tilespmem:s11], [sflag:$0x9] =	stream.linear.gather [hbm4b:s10+s3], $0x1400, $0x38;
	[tilespmem:$0x10F10] =	vst v63  }
0x38: {  	_ =	swait.ge [sflag:s22], $0x1400  }
0x39: {  	[sflag:s22] =	ssyncset.done $0x0  }
0x3a: {  	[sflag:s22] =	ssyncadd.s32 $0xFFFFEC00  }
0x3b: {  	[tilespmem:s30], [sflag:$0x1] =	stream.indirect.gather [spmem:s2], $0x10, s21, s29, $0xb8;
	[tilespmem:$0x10F10] =	vst v63  }
0x3c: {  	s12 =	simm.s32 $0x2790  }
0x3d: {  	[tilespmem:s1], [sflag:$0x2] =	stream.indirect.gather [spmem:s2], $0x10, s12, s29, $0xb8;
	[tilespmem:$0x10F10] =	vst v63  }
0x3e: {  	s13 =	simm.s32 $0x2810  }
0x3f: {  	[tilespmem:s23], [sflag:$0x3] =	stream.indirect.gather [spmem:s2], $0x10, s13, s29, $0xb8;
	[tilespmem:$0x10F10] =	vst v63  }
0x40: {  	s10 =	simm.s32 $0x2890  }
0x41: {  	[tilespmem:s25], [sflag:$0x4] =	stream.indirect.gather [spmem:s2], $0x10, s10, s29, $0xb8;
	[tilespmem:$0x10F10] =	vst v63  }
0x42: {  	_ =	swait.ge [sflag:s26], $0x800  }
0x43: {  	[sflag:s26] =	ssyncset.done $0x0  }
0x44: {  	s11 =	sadd.s32 $0x0, s16;
	[sflag:s26] =	ssyncadd.s32 $0xFFFFF800  }
0x45: {  	[hbm4b:s11+s3] =	stream.linear.scatter [tilespmem:s30], [sflag:$0x5], $0x800, $0x38;
	[tilespmem:$0x10F10] =	vst v63  }
0x46: {  	_ =	swait.ge [sflag:s28], $0x800  }
0x47: {  	[sflag:s28] =	ssyncset.done $0x0  }
0x48: {  	s12 =	sadd.s32 $0x0, s19;
	[sflag:s28] =	ssyncadd.s32 $0xFFFFF800  }
0x49: {  	[hbm4b:s12+s3] =	stream.linear.scatter [tilespmem:s1], [sflag:$0x6], $0x800, $0x38;
	[tilespmem:$0x10F10] =	vst v63  }
0x4a: {  	_ =	swait.ge [sflag:s31], $0x800  }
0x4b: {  	[sflag:s31] =	ssyncset.done $0x0  }
0x4c: {  	s13 =	sadd.s32 $0x0, s18;
	[sflag:s31] =	ssyncadd.s32 $0xFFFFF800  }
0x4d: {  	[hbm4b:s13+s3] =	stream.linear.scatter [tilespmem:s23], [sflag:$0x7], $0x800, $0x38;
	[tilespmem:$0x10F10] =	vst v63  }
0x4e: {  	_ =	swait.ge [sflag:s0], $0x800  }
0x4f: {  	[sflag:s0] =	ssyncset.done $0x0  }
0x50: {  	s10 =	sadd.s32 $0x0, s17;
	[sflag:s0] =	ssyncadd.s32 $0xFFFFF800  }
0x51: {  	[hbm4b:s10+s3] =	stream.linear.scatter [tilespmem:s25], [sflag:$0x8], $0x800, $0x38;
	[tilespmem:$0x10F10] =	vst v63  }
0x52: {  	_ =	swait.ge [sflag:s24], $0x800  }
0x53: {  	[sflag:s24] =	ssyncset.done $0x0  }
0x54: {  	s11 =	simm.s32 $0x2910;
	[sflag:s24] =	ssyncadd.s32 $0xFFFFF800  }
0x55: {  	[tilespmem:s30], [sflag:$0x1] =	stream.indirect.gather [spmem:s2], $0x10, s11, s29, $0xb8;
	[tilespmem:$0x10F10] =	vst v63  }
0x56: {  	_ =	swait.ge [sflag:s4], $0x800  }
0x57: {  	[sflag:s4] =	ssyncset.done $0x0  }
0x58: {  	s12 =	simm.s32 $0x2990;
	[sflag:s4] =	ssyncadd.s32 $0xFFFFF800  }
0x59: {  	[tilespmem:s1], [sflag:$0x2] =	stream.indirect.gather [spmem:s2], $0x10, s12, s29, $0xb8;
	[tilespmem:$0x10F10] =	vst v63  }
0x5a: {  	_ =	swait.ge [sflag:s5], $0x800  }
0x5b: {  	[sflag:s5] =	ssyncset.done $0x0  }
0x5c: {  	s13 =	simm.s32 $0x2A10;
	[sflag:s5] =	ssyncadd.s32 $0xFFFFF800  }
0x5d: {  	[tilespmem:s23], [sflag:$0x3] =	stream.indirect.gather [spmem:s2], $0x10, s13, s29, $0xb8;
	[tilespmem:$0x10F10] =	vst v63  }
0x5e: {  	_ =	swait.ge [sflag:s6], $0x800  }
0x5f: {  	s9 =	simm.s32 $0x2A90;
	[sflag:s6] =	ssyncset.done $0x0  }
0x60: {  	s10 =	simm.s32 $0x400;
	s11 =	simm.s32 $0x2C90;
	[sflag:s6] =	ssyncadd.s32 $0xFFFFF800  }
.LBB2_2:
0x61: {  	[tilespmem:s25], [sflag:$0x4] =	stream.indirect.gather [spmem:s2], $0x10, s9, s29, $0xb8;
	[tilespmem:$0x10F10] =	vst v63  }
0x62: {  	s12 =	smov.u32 s10;
	s9 =	smov.u32 s11  }
0x63: {  	p1 =	sne.s32 s10, $0x2000;
	s10 =	sadd.s32 $0x400, s10;
	_ =	swait.ge [sflag:s26], $0x800  }
0x64: {  	[sflag:s26] =	ssyncset.done $0x0  }
0x65: {  	s13 =	sadd.s32 s12, s16;
	[sflag:s26] =	ssyncadd.s32 $0xFFFFF800  }
0x66: {  	[hbm4b:s13+s3] =	stream.linear.scatter [tilespmem:s30], [sflag:$0x5], $0x800, $0x38;
	[tilespmem:$0x10F10] =	vst v63  }
0x67: {  	_ =	swait.ge [sflag:s28], $0x800  }
0x68: {  	[sflag:s28] =	ssyncset.done $0x0  }
0x69: {  	s13 =	sadd.s32 s12, s19;
	[sflag:s28] =	ssyncadd.s32 $0xFFFFF800  }
0x6a: {  	[hbm4b:s13+s3] =	stream.linear.scatter [tilespmem:s1], [sflag:$0x6], $0x800, $0x38;
	[tilespmem:$0x10F10] =	vst v63  }
0x6b: {  	_ =	swait.ge [sflag:s31], $0x800  }
0x6c: {  	[sflag:s31] =	ssyncset.done $0x0  }
0x6d: {  	s13 =	sadd.s32 s12, s18;
	[sflag:s31] =	ssyncadd.s32 $0xFFFFF800  }
0x6e: {  	[hbm4b:s13+s3] =	stream.linear.scatter [tilespmem:s23], [sflag:$0x7], $0x800, $0x38;
	[tilespmem:$0x10F10] =	vst v63  }
0x6f: {  	_ =	swait.ge [sflag:s0], $0x800  }
0x70: {  	[sflag:s0] =	ssyncset.done $0x0  }
0x71: {  	s12 =	sadd.s32 s12, s17;
	[sflag:s0] =	ssyncadd.s32 $0xFFFFF800  }
0x72: {  	[hbm4b:s12+s3] =	stream.linear.scatter [tilespmem:s25], [sflag:$0x8], $0x800, $0x38;
	[tilespmem:$0x10F10] =	vst v63  }
0x73: {  	_ =	swait.ge [sflag:s24], $0x800  }
0x74: {  	[sflag:s24] =	ssyncset.done $0x0  }
0x75: {  	s12 =	sadd.s32 $0xFFFFFE80, s11;
	[sflag:s24] =	ssyncadd.s32 $0xFFFFF800  }
0x76: {  	[tilespmem:s30], [sflag:$0x1] =	stream.indirect.gather [spmem:s2], $0x10, s12, s29, $0xb8;
	[tilespmem:$0x10F10] =	vst v63  }
0x77: {  	_ =	swait.ge [sflag:s4], $0x800  }
0x78: {  	[sflag:s4] =	ssyncset.done $0x0  }
0x79: {  	s12 =	sadd.s32 $0xFFFFFF00, s11;
	[sflag:s4] =	ssyncadd.s32 $0xFFFFF800  }
0x7a: {  	[tilespmem:s1], [sflag:$0x2] =	stream.indirect.gather [spmem:s2], $0x10, s12, s29, $0xb8;
	[tilespmem:$0x10F10] =	vst v63  }
0x7b: {  	_ =	swait.ge [sflag:s5], $0x800  }
0x7c: {  	[sflag:s5] =	ssyncset.done $0x0  }
.Ltmp0:
0x7d: {  	s12 =	sadd.s32 $0xFFFFFF80, s11;
	[sflag:s5] =	ssyncadd.s32 $0xFFFFF800;
	(pc) =	sbr.rel @p1 .LBB2_2-.Ltmp0, $4  }
0x7e: {  	[tilespmem:s23], [sflag:$0x3] =	stream.indirect.gather [spmem:s2], $0x10, s12, s29, $0xb8;
	[tilespmem:$0x10F10] =	vst v63  }
0x7f: {  	_ =	swait.ge [sflag:s6], $0x800  }
0x80: {  	[sflag:s6] =	ssyncset.done $0x0  }
0x81: {  	s11 =	sadd.s32 $0x200, s11;
	[sflag:s6] =	ssyncadd.s32 $0xFFFFF800  }
0x82: {  	[tilespmem:s25], [sflag:$0x4] =	stream.indirect.gather [spmem:s2], $0x10, s9, s29, $0xb8;
	[tilespmem:$0x10F10] =	vst v63  }
0x83: {  	_ =	swait.ge [sflag:s26], $0x800  }
0x84: {  	[sflag:s26] =	ssyncset.done $0x0  }
0x85: {  	s11 =	simm.s32 $0x0;
	s12 =	rddreg [dreg:$0xc];
	[sflag:s26] =	ssyncadd.s32 $0xFFFFF800  }
0x86: {  	[hbm4b:s12+s11] =	stream.linear.scatter [tilespmem:s30], [sflag:$0x5], $0x800, $0x38;
	[tilespmem:$0x10F10] =	vst v63  }
0x87: {  	_ =	swait.ge [sflag:s28], $0x800  }
0x88: {  	[sflag:s28] =	ssyncset.done $0x0  }
0x89: {  	s13 =	rddreg [dreg:$0xd];
	[sflag:s28] =	ssyncadd.s32 $0xFFFFF800  }
0x8a: {  	[hbm4b:s13+s11] =	stream.linear.scatter [tilespmem:s1], [sflag:$0x6], $0x800, $0x38;
	[tilespmem:$0x10F10] =	vst v63  }
0x8b: {  	_ =	swait.ge [sflag:s31], $0x800  }
0x8c: {  	[sflag:s31] =	ssyncset.done $0x0  }
0x8d: {  	[sflag:s31] =	ssyncadd.s32 $0xFFFFF800  }
0x8e: {  	[hbm4b:s14+s11] =	stream.linear.scatter [tilespmem:s23], [sflag:$0x7], $0x800, $0x38;
	[tilespmem:$0x10F10] =	vst v63  }
0x8f: {  	_ =	swait.ge [sflag:s0], $0x800  }
0x90: {  	[sflag:s0] =	ssyncset.done $0x0  }
0x91: {  	[sflag:s0] =	ssyncadd.s32 $0xFFFFF800  }
0x92: {  	[hbm4b:s15+s11] =	stream.linear.scatter [tilespmem:s25], [sflag:$0x8], $0x800, $0x38;
	[tilespmem:$0x10F10] =	vst v63  }
0x93: {  	_ =	swait.ge [sflag:s24], $0x800  }
0x94: {  	[sflag:s24] =	ssyncset.done $0x0  }
0x95: {  	[sflag:s24] =	ssyncadd.s32 $0xFFFFF800  }
0x96: {  	_ =	swait.ge [sflag:s4], $0x800  }
0x97: {  	[sflag:s4] =	ssyncset.done $0x0  }
0x98: {  	[sflag:s4] =	ssyncadd.s32 $0xFFFFF800  }
0x99: {  	_ =	swait.ge [sflag:s5], $0x800  }
0x9a: {  	[sflag:s5] =	ssyncset.done $0x0  }
0x9b: {  	[sflag:s5] =	ssyncadd.s32 $0xFFFFF800  }
0x9c: {  	_ =	swait.ge [sflag:s6], $0x800  }
0x9d: {  	[sflag:s6] =	ssyncset.done $0x0  }
0x9e: {  	s9 =	simm.s32 $0xAB10;
	[sflag:s6] =	ssyncadd.s32 $0xFFFFF800  }
0x9f: {  	s10 =	simm.s32 $0x8310;
	v5 =	vmov s11;
	v6 =	vld [tilespmem:s9+$0x0]  }
0xa0: {  	v5 =	vshll.u32 v5, $0x5;
	v7 =	vld [tilespmem:s10+$0xFFFFD800]  }
0xa1: {  	v5 =	vor.u32 v1, v5  }
0xa2: {  	v8 =	vor.u32 v0, v5;
	_ =	sdelay $0x2  }
0xa3: {  	v7 =	vmul.f32 v7, v6;
	_ =	sdelay $0x1  }
0xa4: {  	[tilespmem:v8+s7+$0x0] =	vst.idx.msk $0xffff, v7  }
0xa5: {  	v7 =	vld [tilespmem:s10+$0xFFFFEC00];
	_ =	sdelay $0x1  }
0xa6: {  	v8 =	vor.u32 v2, v5;
	_ =	sdelay $0x2  }
0xa7: {  	v7 =	vmul.f32 v7, v6;
	_ =	sdelay $0x1  }
0xa8: {  	[tilespmem:v8+s7+$0x0] =	vst.idx.msk $0xffff, v7  }
0xa9: {  	v7 =	vld [tilespmem:s10+$0x0];
	_ =	sdelay $0x1  }
0xaa: {  	v8 =	vor.u32 v3, v5;
	_ =	sdelay $0x2  }
0xab: {  	v7 =	vmul.f32 v7, v6;
	_ =	sdelay $0x1  }
0xac: {  	[tilespmem:v8+s7+$0x0] =	vst.idx.msk $0xffff, v7  }
0xad: {  	v7 =	vld [tilespmem:s10+$0x1400];
	_ =	sdelay $0x1  }
0xae: {  	v5 =	vor.u32 v4, v5;
	_ =	sdelay $0x2  }
0xaf: {  	s11 =	simm.s32 $0x2;
	v6 =	vmul.f32 v7, v6  }
.LBB2_4:
0xb0: {  	_ = 	snop  }
0xb1: {  	p1 =	sne.s32 s11, $0x27E;
	s9 =	sadd.s32 $0x10, s9;
	s10 =	sadd.s32 $0x10, s10;
	[tilespmem:v5+s7+$0x0] =	vst.idx.msk $0xffff, v6  }
0xb2: {  	v5 =	vmov s11;
	s11 =	sadd.s32 $0x2, s11;
	v6 =	vld [tilespmem:s9+$0x0]  }
0xb3: {  	v5 =	vshll.u32 v5, $0x5;
	v7 =	vld [tilespmem:s10+$0xFFFFD800]  }
0xb4: {  	v5 =	vor.u32 v1, v5  }
0xb5: {  	v8 =	vor.u32 v0, v5;
	_ =	sdelay $0x2  }
0xb6: {  	v7 =	vmul.f32 v7, v6;
	_ =	sdelay $0x1  }
0xb7: {  	[tilespmem:v8+s7+$0x0] =	vst.idx.msk $0xffff, v7  }
0xb8: {  	v7 =	vld [tilespmem:s10+$0xFFFFEC00];
	_ =	sdelay $0x1  }
0xb9: {  	v8 =	vor.u32 v2, v5;
	_ =	sdelay $0x2  }
0xba: {  	v7 =	vmul.f32 v7, v6;
	_ =	sdelay $0x1  }
0xbb: {  	[tilespmem:v8+s7+$0x0] =	vst.idx.msk $0xffff, v7  }
0xbc: {  	v7 =	vld [tilespmem:s10+$0x0];
	_ =	sdelay $0x1  }
0xbd: {  	v8 =	vor.u32 v3, v5;
	_ =	sdelay $0x2  }
0xbe: {  	v7 =	vmul.f32 v7, v6;
	_ =	sdelay $0x1  }
0xbf: {  	[tilespmem:v8+s7+$0x0] =	vst.idx.msk $0xffff, v7  }
0xc0: {  	v7 =	vld [tilespmem:s10+$0x1400]  }
.Ltmp1:
0xc1: {  	(pc) =	sbr.rel @p1 .LBB2_4-.Ltmp1, $2  }
0xc2: {  	v5 =	vor.u32 v4, v5;
	_ =	sdelay $0x2  }
0xc3: {  	v6 =	vmul.f32 v7, v6  }
0xc4: {  	_ =	sdelay $0x3  }
0xc5: {  	s9 =	rddreg [dreg:$0xa];
	s10 =	simm.s32 $0x20;
	[tilespmem:v5+s7+$0x0] =	vst.idx.msk $0xffff, v6  }
0xc6: {  	[hbm4b:s9+s10] =	stream.strided.scatter [tilespmem:s7], [sflag:$0x9], $0x5000, s29, s10, $0x38;
	[tilespmem:$0x10F10] =	vst v63  }
0xc7: {  	_ =	swait.ge [sflag:s22], $0x5000  }
0xc8: {  	s8 =	sadd.s32 $0x1, s8;
	s13 =	rddreg [dreg:$0xb]  }
0xc9: {  	p1 =	sne.s32 s8, s13  }
.Ltmp2:
0xca: {  	_ = 	snop;
	(pc) =	sbr.rel @p1 .LBB2_1-.Ltmp2, $3  }
0xcb: {  	_ =	sdelay $0x1  }
0xcc: {  	[sflag:s22] =	ssyncset.done $0x0  }
0xcd: {  	[sflag:s22] =	ssyncadd.s32 $0xFFFFB000  }
0xce: {  	_ =	sfence.sel $0x180000  }
0xcf: {  	[bflag:$0x0] =	sbarrier.arrive $0xFFFF  }
0xd0: {  	_ =	strace $0x90000047  }
0xd1: {  	[bflag:$0x2] =	sbarrier.arrive $0xFFFF  }
0xd2: {  	s0 =	rddreg [dreg:$0x3]  }
0xd3: {  	s0 =	sadd.s32 @!p0 $0x100000, s0  }
0xd4: {  	[sflag:s0] =	ssyncadd.tile.s32 @!p0 $0x1;
	_ =	shalt  }
.Lfunc_end2:
_tile_overlayer_lowered:
.L_overlay_start_2:
0xd5: {  	(tag) =	ssettag $0x2  }
0xd6: {  	s0 =	rddreg [dreg:$0x0];
	s2 =	stileid.u32  }
0xd7: {  	s1 =	rddreg [dreg:$0x1];
	p0 =	sne.s32 s2, $0x0  }
0xd8: {  	s3 =	rddreg [dreg:$0x2];
	[bflag:$0x3] =	sbarrier.arrive $0xFFFF;
	s2 =	simm.s32 @!p0 $0x1C09  }
0xd9: {  	[timem:s3], [sflag:s2] =	dma.local @!p0 [hbm:s0], s1  }
0xda: {  	s0 =	simm.s32 @!p0 $0x9  }
0xdb: {  	_ =	swait.ge @!p0 [sflag:s0], s1  }
0xdc: {  	s1 =	ssub.s32 @!p0 $0x0, s1;
	[sflag:s0] =	ssyncset.done @!p0 $0x0  }
0xdd: {  	[sflag:s0] =	ssyncadd.s32 @!p0 s1  }
0xde: {  	[bflag:$0x3] =	sbarrier.arrive $0xFFFF  }
0xdf: {  	_ =	shalt  }

// kernel: kernel.9.cloned.1.call-start
scs
__scs_entry_jumppad:
0x0: {  	(pc) =	sbr.rel $0x88, $3  }
0x1: {  	(tag) =	ssettag $0x0;
	lr =	simm.s32 $0x1  }
0x2: {  	[smem:$0x3F9A] =	sst lr;
	_ =	strace $0xD0000000  }
0x3: {  	_ = 	snop  }
0x4: {  	_ = 	snop  }
0x5: {  	_ = 	snop  }
0x6: {  	_ = 	snop  }
0x7: {  	_ = 	snop  }
__scs_overlays_trampoline_lowered:
0x8: {  	[smem:$0x3FA9] =	sst s0  }
0x9: {  	[smem:$0x3FAA] =	sst s1  }
0xa: {  	[smem:$0x3FAB] =	sst s2  }
0xb: {  	[smem:$0x3FAC] =	sst s3  }
0xc: {  	[smem:$0x3FAD] =	sst s4  }
0xd: {  	[smem:$0x3FAE] =	sst s5  }
0xe: {  	[smem:$0x3FAF] =	sst s6  }
0xf: {  	[smem:$0x3FB0] =	sst s7  }
0x10: {  	[smem:$0x3FB1] =	sst s8  }
0x11: {  	[smem:$0x3FB2] =	sst s9;
	s0 =	simm.s32 @!p0 $0x0  }
0x12: {  	s1 =	sld [smem:$0x3F98];
	s0 =	simm.s32 @p0 $0x1  }
0x13: {  	[smem:$0x3FB3] =	sst s0;
	s0 =	simm.s32 @!p1 $0x0  }
0x14: {  	s2 =	sld [smem:$0x3F97];
	s0 =	simm.s32 @p1 $0x1  }
0x15: {  	[smem:$0x3FB4] =	sst s0;
	s0 =	simm.s32 @!p2 $0x0  }
0x16: {  	s3 =	sld [smem:$0x3FDB];
	s0 =	simm.s32 @p2 $0x1  }
0x17: {  	s4 =	simm.s32 $0x1BF5;
	[smem:$0x3FB6] =	sst s0  }
0x18: {  	s0 =	sld [smem:$0x3F99];
	_ =	swait.ge [sflag:s4], $0x0  }
0x19: {  	s7 =	sld [smem:$0x3F9A]  }
0x1a: {  	s8 =	sadd.s32 $0xFFFFE003, lr  }
0x1b: {  	s9 =	sadd.s32 $0xFFFFFEF7, lr;
	s5 =	simm.s32 $0xFFFFFFFF;
	p2 =	slt.u32 s8, $0xFFFFF086  }
0x1c: {  	p1 =	slt.u32 s9, $0xF7A;
	s5 =	simm.s32 @!p2 $0x0  }
0x1d: {  	s5 =	simm.s32 @p1 $0x1;
	p0 =	seq.s32 s7, s2  }
0x1e: {  	s7 =	smul.u32 @!p0 $0xF7A, s2;
	p2 =	seq.s32 @!p0 s5, $0x0  }
0x1f: {  	s9 =	smul.u32 $0xF7A, s1;
	s8 =	simm.s32 @!p0 $0x1BF5;
	p2 =	por !p2, p0  }
0x20: {  	[sflag:s8] =	ssyncset.s32 @!p0 $0xFFFFF086;
	s6 =	sadd.s32 @!p0 s3, s7;
	s7 =	simm.s32 @!p0 $0x108  }
0x21: {  	s3 =	sadd.s32 s3, s9;
	s6 =	sadd.s32 @!p0 $0x88, s6;
	s7 =	simm.s32 @p2 $0x1082  }
0x22: {  	[simem:s7], [sflag:s8] =	dma.local @!p0 [hbm:s6], $0xF7A  }
0x23: {  	s9 =	sor.u32 $0xD0000000, s2;
	s6 =	simm.s32 $0x108;
	_ =	swait.ge @!p0 [sflag:s8], $0x0  }
0x24: {  	s3 =	sadd.s32 $0x88, s3;
	s6 =	simm.s32 @!p1 $0x1082;
	[sflag:s4] =	ssyncset.s32 $0xFFFFF086  }
0x25: {  	[simem:s6], [sflag:s4] =	dma.local [hbm:s3], $0xF7A  }
0x26: {  	[smem:$0x3F9A] =	sst s1;
	(tag) =	ssettag s2;
	_ =	strace s9  }
0x27: {  	s1 =	sld [smem:$0x3FAA]  }
0x28: {  	s2 =	sld [smem:$0x3FAB]  }
0x29: {  	s4 =	sld [smem:$0x3FAD]  }
0x2a: {  	p0 =	seq.s32 s5, $0x0;
	s5 =	sld [smem:$0x3FAE]  }
0x2b: {  	s6 =	sld [smem:$0x3FAF]  }
0x2c: {  	s7 =	sld [smem:$0x3FB0]  }
0x2d: {  	s3 =	simm.s32 $0x108;
	s8 =	sld [smem:$0x3FB1]  }
0x2e: {  	s3 =	simm.s32 @!p0 $0x1082;
	s9 =	sld [smem:$0x3FB2]  }
0x2f: {  	lr =	sadd.s32 s0, s3;
	s0 =	sld [smem:$0x3FA9]  }
0x30: {  	s3 =	sld [smem:$0x3FAC]  }
0x31: {  	[smem:$0x3FB5] =	sst s10  }
0x32: {  	s10 =	sld [smem:$0x3FB3];
	_ =	sdelay $0x3  }
0x33: {  	p0 =	seq.s32 s10, $0x1;
	s10 =	sld [smem:$0x3FB5];
	_ =	sdelay $0x3  }
0x34: {  	[smem:$0x3FB5] =	sst s10  }
0x35: {  	s10 =	sld [smem:$0x3FB4];
	_ =	sdelay $0x3  }
0x36: {  	p1 =	seq.s32 s10, $0x1;
	s10 =	sld [smem:$0x3FB5];
	_ =	sdelay $0x3  }
0x37: {  	[smem:$0x3FB5] =	sst s10  }
0x38: {  	s10 =	sld [smem:$0x3FB6]  }
0x39: {  	_ = 	snop;
	(pc) =	sbr.ind lr, $3  }
0x3a: {  	_ = 	snop  }
0x3b: {  	_ = 	snop  }
0x3c: {  	p2 =	seq.s32 s10, $0x1;
	s10 =	sld [smem:$0x3FB5]  }
0x3d: {  	_ =	shalt  }
0x3e: {  	_ =	shalt  }
0x3f: {  	_ =	shalt  }
0x40: {  	_ =	shalt  }
0x41: {  	_ =	shalt  }
0x42: {  	_ =	shalt  }
0x43: {  	_ =	shalt  }
0x44: {  	_ =	shalt  }
0x45: {  	_ =	shalt  }
0x46: {  	_ =	shalt  }
0x47: {  	_ =	shalt  }
0x48: {  	_ =	shalt  }
0x49: {  	_ =	shalt  }
0x4a: {  	_ =	shalt  }
0x4b: {  	_ =	shalt  }
0x4c: {  	_ =	shalt  }
0x4d: {  	_ =	shalt  }
0x4e: {  	_ =	shalt  }
0x4f: {  	_ =	shalt  }
0x50: {  	_ =	shalt  }
0x51: {  	_ =	shalt  }
0x52: {  	_ =	shalt  }
0x53: {  	_ =	shalt  }
0x54: {  	_ =	shalt  }
0x55: {  	_ =	shalt  }
0x56: {  	_ =	shalt  }
0x57: {  	_ =	shalt  }
0x58: {  	_ =	shalt  }
0x59: {  	_ =	shalt  }
0x5a: {  	_ =	shalt  }
0x5b: {  	_ =	shalt  }
0x5c: {  	_ =	shalt  }
0x5d: {  	_ =	shalt  }
0x5e: {  	_ =	shalt  }
0x5f: {  	_ =	shalt  }
0x60: {  	_ =	shalt  }
0x61: {  	_ =	shalt  }
0x62: {  	_ =	shalt  }
0x63: {  	_ =	shalt  }
0x64: {  	_ =	shalt  }
0x65: {  	_ =	shalt  }
0x66: {  	_ =	shalt  }
0x67: {  	_ =	shalt  }
0x68: {  	_ =	shalt  }
0x69: {  	_ =	shalt  }
0x6a: {  	_ =	shalt  }
0x6b: {  	_ =	shalt  }
0x6c: {  	_ =	shalt  }
0x6d: {  	_ =	shalt  }
0x6e: {  	_ =	shalt  }
0x6f: {  	_ =	shalt  }
0x70: {  	_ =	shalt  }
0x71: {  	_ =	shalt  }
0x72: {  	_ =	shalt  }
0x73: {  	_ =	shalt  }
0x74: {  	_ =	shalt  }
0x75: {  	_ =	shalt  }
0x76: {  	_ =	shalt  }
0x77: {  	_ =	shalt  }
0x78: {  	_ =	shalt  }
0x79: {  	_ =	shalt  }
0x7a: {  	_ =	shalt  }
0x7b: {  	_ =	shalt  }
0x7c: {  	_ =	shalt  }
0x7d: {  	_ =	shalt  }
0x7e: {  	_ =	shalt  }
0x7f: {  	_ =	shalt  }
0x80: {  	_ =	shalt  }
0x81: {  	_ =	shalt  }
0x82: {  	_ =	shalt  }
0x83: {  	_ =	shalt  }
0x84: {  	_ =	shalt  }
0x85: {  	_ =	shalt  }
0x86: {  	_ =	shalt  }
0x87: {  	_ =	shalt  }
.Lfunc_end0:
.L_simem_size_0:
called_computation.1_lowered:
.L_overlay_start_0:
0x88: {  	s2 =	sld [smem:$0x3FD9]  }
0x89: {  	s3 =	sld [smem:$0x3FFE];
	_ =	sdelay $0x1  }
0x8a: {  	s1 =	srdreg.scid  }
0x8b: {  	s0 =	sand.u32 $0x1, s1  }
0x8c: {  	s16 =	sshll.u32 s0, $0xA;
	s2 =	sadd.s32 s3, s2  }
0x8d: {  	s2 =	sadd.s32 s2, s16  }
0x8e: {  	[smem:$0x3FC1] =	sst s2  }
0x8f: {  	_ = 	snop  }
0x90: {  	(tm) =	ssettm $0x1  }
0x91: {  	s17 =	sld [smem:$0x3FFB];
	_ =	sdelay $0x3  }
0x92: {  	_ =	strace s17  }
0x93: {  	s2 =	sld [smem:$0x3FFC];
	_ =	sdelay $0x3  }
0x94: {  	_ =	strace s2  }
0x95: {  	s2 =	sld [smem:$0x3FFD];
	_ =	sdelay $0x3  }
0x96: {  	_ =	strace s2  }
0x97: {  	_ =	strace $0x8FFFFFFF  }
0x98: {  	s18 =	sld [smem:$0x3FDB];
	_ =	sdelay $0x1  }
0x99: {  	s19 =	simm.s32 $_scs_section_size  }
0x9a: {  	s4 =	simm.s32 $_size__tile_overlayer_lowered;
	s5 =	simm.s32 $_tile_overlayer_lowered  }
0x9b: {  	s22 =	simm.s32 $0x1BFF;
	s21 =	sshll.u32 s5, $0x1;
	s2 =	sadd.s32 s19, s18  }
0x9c: {  	s6 =	simm.s32 $0x0;
	s20 =	sshll.u32 s4, $0x1;
	s4 =	sadd.s32 s21, s2  }
0x9d: {  	[timem:s6], [sflag:s22] =	dma.local [hbm:s4], s20  }
0x9e: {  	_ =	swait.ge [sflag:s22], s20  }
0x9f: {  	s3 =	ssub.s32 $0x0, s20;
	[sflag:s22] =	ssyncset.done $0x0  }
0xa0: {  	[sflag:s22] =	ssyncadd.s32 s3;
	_ =	sdelay $0x1  }
0xa1: {  	s23 =	simm.s32 $0x1B8B  }
0xa2: {  	_ =	swait.ge [sflag:s23], $0x1  }
0xa3: {  	[sflag:s23] =	ssyncset.done $0x0  }
0xa4: {  	s25 =	simm.s32 $0x1B8E;
	s24 =	sld [smem:$0x3FFE];
	[sflag:s23] =	ssyncadd.s32 $0xFFFFFFFF  }
0xa5: {  	s26 =	simm.s32 $execute0_lowered;
	[smem:$0x3FD2] =	sst s25  }
0xa6: {  	s4 =	sshll.u32 s26, $0x1;
	_ =	strace $0x80000049;
	[dreg:$0x1] =	wrdreg $0xFFFFFFFF  }
0xa7: {  	s28 =	simm.s32 $_size_execute0_lowered;
	s2 =	sadd.s32 s2, s4;
	[dreg:$0x0] =	wrdreg $0x0  }
0xa8: {  	s4 =	sshll.u32 s28, $0x1;
	[dreg:$0x2] =	wrdreg s2  }
0xa9: {  	[dreg:$0x3] =	wrdreg s4  }
0xaa: {  	[dreg:$0x4] =	wrdreg $0xC0  }
0xab: {  	_ =	task [dreg:s6], $0x5FFFF  }
0xac: {  	[dreg:$0x1] =	wrdreg $0xFFFFFFFF  }
0xad: {  	[dreg:$0x0] =	wrdreg $0x60  }
0xae: {  	[dreg:$0x2] =	wrdreg s24  }
0xaf: {  	[dreg:$0x3] =	wrdreg $0x0  }
0xb0: {  	[dreg:$0x4] =	wrdreg $0x9  }
0xb1: {  	_ =	task.clear_ibuf [dreg:s6], $0x5FFFF;
	_ =	strace $0x90000049  }
0xb2: {  	s29 =	simm.s32 $0x9;
	_ =	strace $0x8000004B  }
0xb3: {  	_ =	swait.ge [sflag:s29], $0x1  }
0xb4: {  	[sflag:s29] =	ssyncadd.s32 $0xFFFFFFFF  }
0xb5: {  	_ =	strace $0x9000004B  }
0xb6: {  	_ =	sfence  }
0xb7: {  	s30 =	sld [smem:$0x0];
	_ =	sdelay $0x2  }
0xb8: {  	s31 =	sshll.u32 s1, $0xD;
	s1 =	sshrl.u32 s1, $0x2  }
0xb9: {  	s3 =	sand.u32 $0x4000, s31;
	s1 =	sadd.s32 s1, s30  }
0xba: {  	s0 =	sor.u32 s3, s0;
	s1 =	sshll.u32 s1, $0x11  }
0xbb: {  	s0 =	sor.u32 s1, s0  }
0xbc: {  	s0 =	sadd.s32 $0x8F2B, s0  }
0xbd: {  	[sflag:s0] =	ssyncadd.remote.s32 $0x1  }
0xbe: {  	_ =	sfence.sel $0xFFFF  }
0xbf: {  	[dreg:$0x0] =	wrdreg $0xFFFFFFFF;
	(pc) =	sbr.abs _section_cstart, $3  }
0xc0: {  	[dreg:$0x1] =	wrdreg $0xFFFFFFFF  }
0xc1: {  	_ =	task.clear_ibuf [dreg:s6], $0x2FFFF;
	_ =	strace $0x9FFFFFFF  }
0xc2: {  	(tm) =	ssettm $0x7FFFFFFF  }
0xc3: {  	_ =	shalt  }
tec
execute0_lowered:
.L_overlay_start_1:
0x0: {  	(tag) =	ssettag $0x1  }
0x1: {  	s0 =	srdreg.scid  }
0x2: {  	s11 =	stileid.u32;
	s4 =	rddreg [dreg:$0x0]  }
0x3: {  	s2 =	rddreg [dreg:$0x1];
	s3 =	simm.s32 $0x0;
	s17 =	simm.s32 $0x9  }
0x4: {  	s28 =	simm.s32 $0x4;
	s29 =	simm.s32 $0x5;
	s30 =	simm.s32 $0x6  }
0x5: {  	s31 =	simm.s32 $0x7;
	s0 =	sand.u32 $0x1, s0;
	s6 =	smul.u32 $0x2800, s11  }
0x6: {  	s16 =	simm.s32 $0x0;
	[smem:$0x7FF] =	sst s3;
	s7 =	smul.u32 $0x28000, s0  }
0x7: {  	s1 =	sshll.u32 s0, $0x4;
	s9 =	ssub.s32 $0x2, s0;
	s0 =	smul.u32 $0x140000, s0  }
0x8: {  	s8 =	sadd.s32 $0x2200, s4;
	s1 =	sor.u32 s11, s1;
	s11 =	smul.u32 $0x14000, s11  }
0x9: {  	_ =	strace $0x8000004A;
	s10 =	sshrl.u32 s9, $0x1;
	s5 =	smul.u32 $0x280, s1  }
0xa: {  	s1 =	smul.u32 $0x2800, s1;
	s7 =	sadd.s32 s6, s7;
	s9 =	ssub.s32 s9, s10  }
0xb: {  	s7 =	sshrl.u32 s7, $0x3;
	s0 =	sadd.s32 s11, s0;
	s24 =	smax.u32 s9, $0x1  }
0xc: {  	s12 =	sadd.s32 s5, s4;
	s7 =	sadd.s32 s7, s4;
	s4 =	sadd.s32 s6, s2  }
0xd: {  	s5 =	sadd.s32 s8, s1;
	s20 =	sor.u32 $0x3800, s0;
	[dreg:$0x8] =	wrdreg s24  }
0xe: {  	s25 =	sor.u32 $0x3000, s0;
	s26 =	sor.u32 $0x2800, s0;
	s0 =	sor.u32 $0x2000, s0  }
0xf: {  	s24 =	simm.s32 $0x80;
	s18 =	sadd.s32 $0xC0200, s12;
	s19 =	sadd.s32 $0x100, s5  }
0x10: {  	s21 =	sadd.s32 $0x200, s5;
	s22 =	sadd.s32 $0x300, s5;
	[dreg:$0x3] =	wrdreg s18  }
0x11: {  	s1 =	sshrl.u32 s20, $0x3;
	s23 =	sadd.s32 $0x52200, s7;
	[dreg:$0x4] =	wrdreg s19  }
0x12: {  	s6 =	sshrl.u32 s26, $0x3;
	s0 =	sshrl.u32 s0, $0x3;
	[dreg:$0x5] =	wrdreg s21  }
0x13: {  	s20 =	simm.s32 $0x6C00;
	s26 =	simm.s32 $0x3;
	[dreg:$0x6] =	wrdreg s22  }
0x14: {  	[dreg:$0x7] =	wrdreg s23;
	s9 =	sadd.s32 s1, s8;
	s1 =	sshrl.u32 s25, $0x3  }
0x15: {  	s14 =	sadd.s32 s6, s8;
	s15 =	sadd.s32 s0, s8;
	s19 =	simm.s32 $0x6400  }
0x16: {  	s21 =	simm.s32 $0x7400;
	s22 =	simm.s32 $0x7C00;
	s23 =	simm.s32 $0x1  }
0x17: {  	v0 =	vimm.f32 $0.0e+00;
	s25 =	simm.s32 $0x2;
	s13 =	sadd.s32 s1, s8;
	s1 =	simm.s32 $0x8  }
.LBB2_1:
0x18: {  	s0 =	simm.s32 $0x40;
	s6 =	simm.s32 $0x0  }
.LBB2_2:
0x19: {  	p0 =	sne.s32 s0, $0x9FC0;
	[tilespmem:s6+$0x2800] =	vst v0;
	s6 =	smov.u32 s0;
	s0 =	sadd.s32 $0x40, s0  }
.Ltmp0:
0x1a: {  	(pc) =	sbr.rel @p0 .LBB2_2-.Ltmp0, $2  }
0x1b: {  	_ =	sdelay $0x2  }
0x1c: {  	s6 =	sshra.s32 s6, $0x2  }
0x1d: {  	[tilespmem:s6+$0x2800] =	vst v0;
	s0 =	simm.s32 $0x2800  }
0x1e: {  	[spmem:s4] =	stream.linear.scatter [tilespmem:s0], [sflag:$0x9], $0x2800, $0x38;
	[tilespmem:$0x8400] =	vst v63  }
0x1f: {  	_ =	swait.ge [sflag:s17], $0x2800  }
0x20: {  	[sflag:s17] =	ssyncset.done $0x0  }
0x21: {  	[sflag:s17] =	ssyncadd.s32 $0xFFFFD800  }
0x22: {  	[bflag:$0x0] =	sbarrier.arrive $0xFFFF  }
0x23: {  	s11 =	simm.s32 $0x0;
	s7 =	simm.s32 $0x5000;
	s12 =	rddreg [dreg:$0x3]  }
0x24: {  	[tilespmem:s7], [sflag:$0x9] =	stream.linear.gather [hbm4b:s12+s11], $0x1400, $0x38;
	[tilespmem:$0x8400] =	vst v63  }
0x25: {  	_ =	swait.ge [sflag:s17], $0x1400  }
0x26: {  	[sflag:s17] =	ssyncset.done $0x0  }
0x27: {  	[sflag:s17] =	ssyncadd.s32 $0xFFFFEC00  }
0x28: {  	[tilespmem:s19], [sflag:$0x1] =	stream.linear.gather [hbm4b:s5+s11], $0x800, $0x38;
	[tilespmem:$0x8400] =	vst v63  }
0x29: {  	s18 =	rddreg [dreg:$0x4]  }
0x2a: {  	[tilespmem:s20], [sflag:$0x2] =	stream.linear.gather [hbm4b:s18+s11], $0x800, $0x38;
	[tilespmem:$0x8400] =	vst v63  }
0x2b: {  	s7 =	rddreg [dreg:$0x5]  }
0x2c: {  	[tilespmem:s21], [sflag:$0x3] =	stream.linear.gather [hbm4b:s7+s11], $0x800, $0x38;
	[tilespmem:$0x8400] =	vst v63  }
0x2d: {  	s8 =	rddreg [dreg:$0x6]  }
0x2e: {  	[tilespmem:s22], [sflag:$0x4] =	stream.linear.gather [hbm4b:s8+s11], $0x800, $0x38;
	[tilespmem:$0x8400] =	vst v63  }
0x2f: {  	_ =	swait.ge [sflag:s23], $0x800  }
0x30: {  	[sflag:s23] =	ssyncset.done $0x0  }
0x31: {  	s10 =	simm.s32 $0x5000;
	[sflag:s23] =	ssyncadd.s32 $0xFFFFF800  }
0x32: {  	[spmem:s2] =	stream.indirect.scatter.add.f32 [tilespmem:s19], [sflag:$0x5], $0x10, s10, s24, $0xb8;
	[tilespmem:$0x8400] =	vst v63  }
0x33: {  	_ =	swait.ge [sflag:s25], $0x800  }
0x34: {  	[sflag:s25] =	ssyncset.done $0x0  }
0x35: {  	s11 =	simm.s32 $0x5080;
	[sflag:s25] =	ssyncadd.s32 $0xFFFFF800  }
0x36: {  	[spmem:s2] =	stream.indirect.scatter.add.f32 [tilespmem:s20], [sflag:$0x6], $0x10, s11, s24, $0xb8;
	[tilespmem:$0x8400] =	vst v63  }
0x37: {  	_ =	swait.ge [sflag:s26], $0x800  }
0x38: {  	[sflag:s26] =	ssyncset.done $0x0  }
0x39: {  	s12 =	simm.s32 $0x5100;
	[sflag:s26] =	ssyncadd.s32 $0xFFFFF800  }
0x3a: {  	[spmem:s2] =	stream.indirect.scatter.add.f32 [tilespmem:s21], [sflag:$0x7], $0x10, s12, s24, $0xb8;
	[tilespmem:$0x8400] =	vst v63  }
0x3b: {  	_ =	swait.ge [sflag:s28], $0x800  }
0x3c: {  	[sflag:s28] =	ssyncset.done $0x0  }
0x3d: {  	s18 =	simm.s32 $0x5180;
	[sflag:s28] =	ssyncadd.s32 $0xFFFFF800  }
0x3e: {  	[spmem:s2] =	stream.indirect.scatter.add.f32 [tilespmem:s22], [sflag:$0x8], $0x10, s18, s24, $0xb8;
	[tilespmem:$0x8400] =	vst v63  }
0x3f: {  	_ =	swait.ge [sflag:s29], $0x800  }
0x40: {  	[sflag:s29] =	ssyncset.done $0x0  }
0x41: {  	[sflag:s29] =	ssyncadd.s32 $0xFFFFF800  }
0x42: {  	[tilespmem:s19], [sflag:$0x1] =	stream.linear.gather [hbm4b:s15+s3], $0x800, $0x38;
	[tilespmem:$0x8400] =	vst v63  }
0x43: {  	_ =	swait.ge [sflag:s30], $0x800  }
0x44: {  	[sflag:s30] =	ssyncset.done $0x0  }
0x45: {  	[sflag:s30] =	ssyncadd.s32 $0xFFFFF800  }
0x46: {  	[tilespmem:s20], [sflag:$0x2] =	stream.linear.gather [hbm4b:s14+s3], $0x800, $0x38;
	[tilespmem:$0x8400] =	vst v63  }
0x47: {  	_ =	swait.ge [sflag:s31], $0x800  }
0x48: {  	[sflag:s31] =	ssyncset.done $0x0  }
0x49: {  	[sflag:s31] =	ssyncadd.s32 $0xFFFFF800  }
0x4a: {  	[tilespmem:s21], [sflag:$0x3] =	stream.linear.gather [hbm4b:s13+s3], $0x800, $0x38;
	[tilespmem:$0x8400] =	vst v63  }
0x4b: {  	s6 =	sadd.s32 $0x400, s15;
	s0 =	sadd.s32 $0x400, s14;
	_ =	swait.ge [sflag:s1], $0x800  }
0x4c: {  	s7 =	sadd.s32 $0x400, s9;
	s8 =	sadd.s32 $0x400, s13;
	[sflag:s1] =	ssyncset.done $0x0  }
0x4d: {  	s12 =	smov.u32 s9;
	s18 =	simm.s32 $0x800;
	[sflag:s1] =	ssyncadd.s32 $0xFFFFF800  }
.LBB2_4:
0x4e: {  	[tilespmem:s22], [sflag:$0x4] =	stream.linear.gather [hbm4b:s12+s3], $0x800, $0x38;
	[tilespmem:$0x8400] =	vst v63  }
0x4f: {  	s10 =	smov.u32 s18;
	s12 =	smov.u32 s7  }
0x50: {  	p0 =	sne.s32 s18, $0x4000;
	s18 =	sadd.s32 $0x800, s18;
	_ =	swait.ge [sflag:s23], $0x800  }
0x51: {  	s10 =	sshra.s32 s10, $0x2;
	[sflag:s23] =	ssyncset.done $0x0  }
0x52: {  	s11 =	sadd.s32 $0x5000, s10;
	[sflag:s23] =	ssyncadd.s32 $0xFFFFF800  }
0x53: {  	[spmem:s2] =	stream.indirect.scatter.add.f32 [tilespmem:s19], [sflag:$0x5], $0x10, s11, s24, $0xb8;
	[tilespmem:$0x8400] =	vst v63  }
0x54: {  	_ =	swait.ge [sflag:s25], $0x800  }
0x55: {  	[sflag:s25] =	ssyncset.done $0x0  }
0x56: {  	s11 =	sadd.s32 $0x5080, s10;
	[sflag:s25] =	ssyncadd.s32 $0xFFFFF800  }
0x57: {  	[spmem:s2] =	stream.indirect.scatter.add.f32 [tilespmem:s20], [sflag:$0x6], $0x10, s11, s24, $0xb8;
	[tilespmem:$0x8400] =	vst v63  }
0x58: {  	_ =	swait.ge [sflag:s26], $0x800  }
0x59: {  	[sflag:s26] =	ssyncset.done $0x0  }
0x5a: {  	s11 =	sadd.s32 $0x5100, s10;
	[sflag:s26] =	ssyncadd.s32 $0xFFFFF800  }
0x5b: {  	[spmem:s2] =	stream.indirect.scatter.add.f32 [tilespmem:s21], [sflag:$0x7], $0x10, s11, s24, $0xb8;
	[tilespmem:$0x8400] =	vst v63  }
0x5c: {  	_ =	swait.ge [sflag:s28], $0x800  }
0x5d: {  	[sflag:s28] =	ssyncset.done $0x0  }
0x5e: {  	s10 =	sadd.s32 $0x5180, s10;
	[sflag:s28] =	ssyncadd.s32 $0xFFFFF800  }
0x5f: {  	[spmem:s2] =	stream.indirect.scatter.add.f32 [tilespmem:s22], [sflag:$0x8], $0x10, s10, s24, $0xb8;
	[tilespmem:$0x8400] =	vst v63  }
0x60: {  	_ =	swait.ge [sflag:s29], $0x800  }
0x61: {  	[sflag:s29] =	ssyncset.done $0x0  }
0x62: {  	[sflag:s29] =	ssyncadd.s32 $0xFFFFF800  }
0x63: {  	[tilespmem:s19], [sflag:$0x1] =	stream.linear.gather [hbm4b:s6+s3], $0x800, $0x38;
	[tilespmem:$0x8400] =	vst v63  }
0x64: {  	_ =	swait.ge [sflag:s30], $0x800  }
0x65: {  	[sflag:s30] =	ssyncset.done $0x0  }
0x66: {  	[sflag:s30] =	ssyncadd.s32 $0xFFFFF800  }
0x67: {  	[tilespmem:s20], [sflag:$0x2] =	stream.linear.gather [hbm4b:s0+s3], $0x800, $0x38;
	[tilespmem:$0x8400] =	vst v63  }
0x68: {  	_ =	swait.ge [sflag:s31], $0x800  }
0x69: {  	[sflag:s31] =	ssyncset.done $0x0  }
.Ltmp1:
0x6a: {  	[sflag:s31] =	ssyncadd.s32 $0xFFFFF800;
	(pc) =	sbr.rel @p0 .LBB2_4-.Ltmp1, $4  }
0x6b: {  	[tilespmem:s21], [sflag:$0x3] =	stream.linear.gather [hbm4b:s8+s3], $0x800, $0x38;
	[tilespmem:$0x8400] =	vst v63  }
0x6c: {  	_ =	swait.ge [sflag:s1], $0x800  }
0x6d: {  	s6 =	sadd.s32 $0x400, s6;
	s0 =	sadd.s32 $0x400, s0;
	[sflag:s1] =	ssyncset.done $0x0  }
0x6e: {  	s7 =	sadd.s32 $0x400, s7;
	s8 =	sadd.s32 $0x400, s8;
	[sflag:s1] =	ssyncadd.s32 $0xFFFFF800  }
0x6f: {  	[tilespmem:s22], [sflag:$0x4] =	stream.linear.gather [hbm4b:s12+s3], $0x800, $0x38;
	[tilespmem:$0x8400] =	vst v63  }
0x70: {  	_ =	swait.ge [sflag:s23], $0x800  }
0x71: {  	[sflag:s23] =	ssyncset.done $0x0  }
0x72: {  	s0 =	simm.s32 $0x6200;
	[sflag:s23] =	ssyncadd.s32 $0xFFFFF800  }
0x73: {  	[spmem:s2] =	stream.indirect.scatter.add.f32 [tilespmem:s19], [sflag:$0x5], $0x10, s0, s24, $0xb8;
	[tilespmem:$0x8400] =	vst v63  }
0x74: {  	_ =	swait.ge [sflag:s25], $0x800  }
0x75: {  	[sflag:s25] =	ssyncset.done $0x0  }
0x76: {  	s8 =	simm.s32 $0x6280;
	[sflag:s25] =	ssyncadd.s32 $0xFFFFF800  }
0x77: {  	[spmem:s2] =	stream.indirect.scatter.add.f32 [tilespmem:s20], [sflag:$0x6], $0x10, s8, s24, $0xb8;
	[tilespmem:$0x8400] =	vst v63  }
0x78: {  	_ =	swait.ge [sflag:s26], $0x800  }
0x79: {  	[sflag:s26] =	ssyncset.done $0x0  }
0x7a: {  	s10 =	simm.s32 $0x6300;
	[sflag:s26] =	ssyncadd.s32 $0xFFFFF800  }
0x7b: {  	[spmem:s2] =	stream.indirect.scatter.add.f32 [tilespmem:s21], [sflag:$0x7], $0x10, s10, s24, $0xb8;
	[tilespmem:$0x8400] =	vst v63  }
0x7c: {  	_ =	swait.ge [sflag:s28], $0x800  }
0x7d: {  	[sflag:s28] =	ssyncset.done $0x0  }
0x7e: {  	s11 =	simm.s32 $0x6380;
	[sflag:s28] =	ssyncadd.s32 $0xFFFFF800  }
0x7f: {  	[spmem:s2] =	stream.indirect.scatter.add.f32 [tilespmem:s22], [sflag:$0x8], $0x10, s11, s24, $0xb8;
	[tilespmem:$0x8400] =	vst v63  }
0x80: {  	_ =	swait.ge [sflag:s29], $0x800  }
0x81: {  	[sflag:s29] =	ssyncset.done $0x0  }
0x82: {  	[sflag:s29] =	ssyncadd.s32 $0xFFFFF800  }
0x83: {  	_ =	swait.ge [sflag:s30], $0x800  }
0x84: {  	[sflag:s30] =	ssyncset.done $0x0  }
0x85: {  	[sflag:s30] =	ssyncadd.s32 $0xFFFFF800  }
0x86: {  	_ =	swait.ge [sflag:s31], $0x800  }
0x87: {  	[sflag:s31] =	ssyncset.done $0x0  }
0x88: {  	[sflag:s31] =	ssyncadd.s32 $0xFFFFF800  }
0x89: {  	_ =	swait.ge [sflag:s1], $0x800  }
0x8a: {  	[sflag:s1] =	ssyncset.done $0x0  }
0x8b: {  	s12 =	stileid.u32;
	[sflag:s1] =	ssyncadd.s32 $0xFFFFF800  }
0x8c: {  	s0 =	sshll.u32 s12, $0x6;
	[bflag:$0x0] =	sbarrier.arrive $0xFFFF  }
0x8d: {  	s6 =	sshrl.u32 s4, $0x3;
	s0 =	sor.u32 $0x1C09, s0;
	s7 =	rddreg [dreg:$0x7]  }
0x8e: {  	[hbm:s7], [sflag:s0] =	dma.local [spmem:s6], $0x500  }
0x8f: {  	_ =	swait.ge [sflag:s17], $0x500  }
0x90: {  	s16 =	sadd.s32 $0x1, s16;
	s18 =	rddreg [dreg:$0x8]  }
0x91: {  	p0 =	sne.s32 s16, s18  }
.Ltmp2:
0x92: {  	_ = 	snop;
	(pc) =	sbr.rel @p0 .LBB2_1-.Ltmp2, $3  }
0x93: {  	_ =	sdelay $0x1  }
0x94: {  	[sflag:s17] =	ssyncset.done $0x0  }
0x95: {  	[sflag:s17] =	ssyncadd.s32 $0xFFFFFB00  }
0x96: {  	_ =	sfence.sel $0x180000  }
0x97: {  	[bflag:$0x0] =	sbarrier.arrive $0xFFFF  }
0x98: {  	_ =	strace $0x9000004A  }
0x99: {  	s0 =	stileid.u32;
	[bflag:$0x2] =	sbarrier.arrive $0xFFFF  }
0x9a: {  	p0 =	sne.s32 s0, $0x0;
	s0 =	rddreg [dreg:$0x2]  }
0x9b: {  	s0 =	sadd.s32 @!p0 $0x100000, s0  }
0x9c: {  	[sflag:s0] =	ssyncadd.tile.s32 @!p0 $0x1;
	_ =	shalt  }
.Lfunc_end2:
_tile_overlayer_lowered:
.L_overlay_start_2:
0x9d: {  	(tag) =	ssettag $0x2  }
0x9e: {  	s0 =	rddreg [dreg:$0x0];
	s2 =	stileid.u32  }
0x9f: {  	s1 =	rddreg [dreg:$0x1];
	p0 =	sne.s32 s2, $0x0  }
0xa0: {  	s3 =	rddreg [dreg:$0x2];
	[bflag:$0x3] =	sbarrier.arrive $0xFFFF;
	s2 =	simm.s32 @!p0 $0x1C09  }
0xa1: {  	[timem:s3], [sflag:s2] =	dma.local @!p0 [hbm:s0], s1  }
0xa2: {  	s0 =	simm.s32 @!p0 $0x9  }
0xa3: {  	_ =	swait.ge @!p0 [sflag:s0], s1  }
0xa4: {  	s1 =	ssub.s32 @!p0 $0x0, s1;
	[sflag:s0] =	ssyncset.done @!p0 $0x0  }
0xa5: {  	[sflag:s0] =	ssyncadd.s32 @!p0 s1  }
0xa6: {  	[bflag:$0x3] =	sbarrier.arrive $0xFFFF  }
0xa7: {  	_ =	shalt  }

</sc_bundles>
